<compile_context>
chip_gen: v7x
topology: tpu7x:2x2x1
jax: 0.10.2.dev20260603
libtpu: 0.0.44.dev20260713+nightly
codegen_flags: <defaults>
</compile_context>

<pallas_src>
import functools

import jax
import jax.numpy as jnp
from jax import lax
from jax.experimental import pallas as pl
from jax.experimental.pallas import tpu as pltpu
from jax.experimental.pallas import tpu_sc as plsc

_NC = 2
_NS = 16
_CH = 128
_KB = 16



def _sc_mesh():
    return plsc.VectorSubcoreMesh(
        core_axis_name="c", subcore_axis_name="s", num_cores=_NC, num_subcores=_NS
    )


@functools.lru_cache(maxsize=None)
def _make_bincount(NP, EP):
    RT = NP // _NS
    n_chunks = EP // (_NC * _NS * _CH)
    W = 128

    @functools.partial(
        pl.kernel,
        out_type=jax.ShapeDtypeStruct((_NC, NP, W), jnp.float32),
        mesh=_sc_mesh(),
        scratch_types=[
            pltpu.VMEM((_CH,), jnp.int32),
            pltpu.VMEM((_CH, W), jnp.float32),
            pltpu.VMEM_SHARED((NP, W), jnp.float32),
        ],
    )
    def bincount_k(dst_hbm, ones_hbm, zer_hbm, out_hbm, idx_v, ones_v, acc_sh):
        c = lax.axis_index("c")
        s = lax.axis_index("s")
        wid = s * _NC + c

        pltpu.sync_copy(ones_hbm, ones_v)
        pltpu.sync_copy(zer_hbm, acc_sh.at[pl.ds(s * RT, RT)])
        plsc.subcore_barrier()
        base = wid * n_chunks

        def body(k, carry):
            pltpu.sync_copy(dst_hbm.at[pl.ds((base + k) * _CH, _CH)], idx_v)
            pltpu.sync_copy(ones_v, acc_sh.at[idx_v], add=True)
            return carry

        lax.fori_loop(0, n_chunks, body, 0)
        plsc.subcore_barrier()
        pltpu.sync_copy(acc_sh.at[pl.ds(s * RT, RT)], out_hbm.at[c, pl.ds(s * RT, RT)])

    return bincount_k


@functools.lru_cache(maxsize=None)
def _make_segsum(NP, EP, D):
    RT = NP // _NS
    n_chunks = EP // (_NC * _NS * _CH)
    KB = _KB
    assert n_chunks % KB == 0
    n_sb = n_chunks // KB

    @functools.partial(
        pl.kernel,
        out_type=jax.ShapeDtypeStruct((_NC, NP, D), jnp.float32),
        mesh=_sc_mesh(),
        scratch_types=[
            pltpu.VMEM((_CH,), jnp.int32),
            pltpu.VMEM((_CH,), jnp.int32),
            pltpu.VMEM((_CH, D), jnp.float32),
            pltpu.VMEM_SHARED((NP, D), jnp.float32),
            pltpu.SemaphoreType.DMA,
        ],
    )
    def segsum_k(table_hbm, src_hbm, dst_hbm, zer_hbm, out_hbm,
                 si_v, di_v, rows0_v, acc_sh, sem0):
        c = lax.axis_index("c")
        s = lax.axis_index("s")
        wid = s * _NC + c

        pltpu.sync_copy(zer_hbm, acc_sh.at[pl.ds(s * RT, RT)])
        plsc.subcore_barrier()
        base = wid * n_chunks

        def chunk_body(k, carry2):
            off = (base + k) * _CH
            pltpu.sync_copy(src_hbm.at[pl.ds(off, _CH)], si_v)
            pltpu.sync_copy(dst_hbm.at[pl.ds(off, _CH)], di_v)
            pltpu.async_copy(table_hbm.at[si_v], rows0_v, sem0).wait()
            pltpu.sync_copy(rows0_v, acc_sh.at[di_v], add=True)
            return carry2

        lax.fori_loop(0, n_chunks, chunk_body, 0)
        plsc.subcore_barrier()
        pltpu.sync_copy(acc_sh.at[pl.ds(s * RT, RT)], out_hbm.at[c, pl.ds(s * RT, RT)])

    return segsum_k


def _sc_bincount(dst_p, NP, EP):
    ones = jnp.ones((_CH, 128), jnp.float32)
    zer = jnp.zeros((NP // _NS, 128), jnp.float32)
    return _make_bincount(NP, EP)(dst_p, ones, zer)


def _sc_segsum(table, src_p, dst_p, NP, EP):
    D = table.shape[1]
    zer = jnp.zeros((NP // _NS, D), jnp.float32)
    return _make_segsum(NP, EP, D)(table, src_p, dst_p, zer)



def _mm_body(x_ref, w_ref, o_ref):
    o_ref[...] = jnp.dot(x_ref[...], w_ref[...], preferred_element_type=jnp.float32)


def _tc_matmul(x, w, bm):
    np_, k = x.shape
    n = w.shape[1]
    return pl.pallas_call(
        _mm_body,
        grid=(np_ // bm,),
        in_specs=[
            pl.BlockSpec((bm, k), lambda i: (i, 0)),
            pl.BlockSpec((k, n), lambda i: (0, 0)),
        ],
        out_specs=pl.BlockSpec((bm, n), lambda i: (i, 0)),
        out_shape=jax.ShapeDtypeStruct((np_, n), jnp.float32),
    )(x, w)


def _scale_body(p_ref, hx_ref, dinv_ref, hxs_ref):
    deg = p_ref[0, :, 0:1] + p_ref[1, :, 0:1] + 1.0
    dinv = lax.rsqrt(deg)
    dinv_ref[...] = jnp.broadcast_to(dinv, dinv_ref.shape)
    hxs_ref[...] = hx_ref[...] * dinv


def _tc_scale(degp, hx, bm):
    np_, dh = hx.shape
    return pl.pallas_call(
        _scale_body,
        grid=(np_ // bm,),
        in_specs=[
            pl.BlockSpec((_NC, bm, 128), lambda i: (0, i, 0)),
            pl.BlockSpec((bm, dh), lambda i: (i, 0)),
        ],
        out_specs=[
            pl.BlockSpec((bm, 8), lambda i: (i, 0)),
            pl.BlockSpec((bm, dh), lambda i: (i, 0)),
        ],
        out_shape=[
            jax.ShapeDtypeStruct((np_, 8), jnp.float32),
            jax.ShapeDtypeStruct((np_, dh), jnp.float32),
        ],
    )(degp, hx)


def _post1_body(g_ref, hx_ref, dinv_ref, wc_ref, h2_ref, h2s_ref):
    dinv = dinv_ref[:, 0:1]
    g = g_ref[0] + g_ref[1]
    h = jnp.maximum(g * dinv + hx_ref[...] * (dinv * dinv), 0.0)
    h2 = jnp.dot(h, wc_ref[...], preferred_element_type=jnp.float32)
    h2_ref[...] = h2
    h2s_ref[...] = h2 * dinv


def _tc_post1(g1, hx, dinv8, wcat, bm):
    np_, dh = hx.shape
    return pl.pallas_call(
        _post1_body,
        grid=(np_ // bm,),
        in_specs=[
            pl.BlockSpec((_NC, bm, dh), lambda i: (0, i, 0)),
            pl.BlockSpec((bm, dh), lambda i: (i, 0)),
            pl.BlockSpec((bm, 8), lambda i: (i, 0)),
            pl.BlockSpec((dh, dh), lambda i: (0, 0)),
        ],
        out_specs=[
            pl.BlockSpec((bm, dh), lambda i: (i, 0)),
            pl.BlockSpec((bm, dh), lambda i: (i, 0)),
        ],
        out_shape=[
            jax.ShapeDtypeStruct((np_, dh), jnp.float32),
            jax.ShapeDtypeStruct((np_, dh), jnp.float32),
        ],
    )(g1, hx, dinv8, wcat)


def _post2_body(dl, g_ref, h2_ref, dinv_ref, wd_ref, mk_ref, b_ref,
                mu_ref, ls_ref, ex_ref):
    dinv = dinv_ref[:, 0:1]
    t = (g_ref[0] + g_ref[1]) * dinv + h2_ref[...] * (dinv * dinv)
    mu = t[:, :dl]
    mu_ref[...] = mu
    ls_ref[...] = t[:, dl:]
    wm = wd_ref[...] * mk_ref[...]
    logits = lax.dot_general(
        mu, wm, (((1,), (1,)), ((), ())), preferred_element_type=jnp.float32
    ) + b_ref[...]
    m = jnp.max(logits, axis=1, keepdims=True)
    e = jnp.exp(logits - m)
    ex_ref[...] = e / jnp.sum(e, axis=1, keepdims=True)


def _tc_post2(g2, h2, dinv8, wdec, mask, b2, n, bm):
    dh = h2.shape[1]
    do, dl = wdec.shape
    return pl.pallas_call(
        functools.partial(_post2_body, dl),
        grid=(n // bm,),
        in_specs=[
            pl.BlockSpec((_NC, bm, dh), lambda i: (0, i, 0)),
            pl.BlockSpec((bm, dh), lambda i: (i, 0)),
            pl.BlockSpec((bm, 8), lambda i: (i, 0)),
            pl.BlockSpec((do, dl), lambda i: (0, 0)),
            pl.BlockSpec((do, dl), lambda i: (0, 0)),
            pl.BlockSpec((1, do), lambda i: (0, 0)),
        ],
        out_specs=[
            pl.BlockSpec((bm, dl), lambda i: (i, 0)),
            pl.BlockSpec((bm, dl), lambda i: (i, 0)),
            pl.BlockSpec((bm, do), lambda i: (i, 0)),
        ],
        out_shape=[
            jax.ShapeDtypeStruct((n, dl), jnp.float32),
            jax.ShapeDtypeStruct((n, dl), jnp.float32),
            jax.ShapeDtypeStruct((n, do), jnp.float32),
        ],
    )(g2, h2, dinv8, wdec, mask, b2)


def _adj_body(a_ref, b_ref, o_ref):
    o_ref[...] = lax.dot_general(
        a_ref[...], b_ref[...], (((1,), (1,)), ((), ())),
        preferred_element_type=jnp.float32,
    )


def _tc_adj(z, bm):
    n, dl = z.shape
    return pl.pallas_call(
        _adj_body,
        grid=(n // bm,),
        in_specs=[
            pl.BlockSpec((bm, dl), lambda i: (i, 0)),
            pl.BlockSpec((n, dl), lambda i: (0, 0)),
        ],
        out_specs=pl.BlockSpec((bm, n), lambda i: (i, 0)),
        out_shape=jax.ShapeDtypeStruct((n, n), jnp.float32),
    )(z, z)



def kernel(x, edge_index, W1, Wmu, Wlogstd, Wdec, bdec, mask):
    n, d_in = x.shape
    e = edge_index.shape[1]
    d_hid = W1.shape[1]
    d_lat = Wmu.shape[1]
    d_out = Wdec.shape[0]

    unit_n = _NS * _CH
    np_ = (n // unit_n + 1) * unit_n
    unit_e = _NC * _NS * _CH * _KB
    ep = -(-e // unit_e) * unit_e
    n_pad = ep - e
    pad_dst = n + jax.lax.rem(jnp.arange(n_pad, dtype=jnp.int32),
                              jnp.int32(np_ - n))
    pad_src = jax.lax.rem(jnp.arange(n_pad, dtype=jnp.int32), jnp.int32(n))

    src_p = jnp.concatenate([edge_index[0].astype(jnp.int32), pad_src])
    dst_p = jnp.concatenate([edge_index[1].astype(jnp.int32), pad_dst])
    x_pad = jnp.pad(x, ((0, np_ - n), (0, 0)))
    wcat = jnp.concatenate([Wmu, Wlogstd], axis=1)
    b2 = bdec.reshape(1, d_out)

    degp = _sc_bincount(dst_p, np_, ep)
    hx = _tc_matmul(x_pad, W1, bm=1024)
    dinv8, hxs = _tc_scale(degp, hx, bm=2048)
    g1 = _sc_segsum(hxs, src_p, dst_p, np_, ep)
    h2, h2s = _tc_post1(g1, hx, dinv8, wcat, bm=1024)
    g2 = _sc_segsum(h2s, src_p, dst_p, np_, ep)
    mu, logstd, expr = _tc_post2(g2, h2, dinv8, Wdec, mask, b2, n, bm=2000)
    adj = _tc_adj(mu, bm=400)
    return (adj, expr, mu, logstd)

# --- scband reference (transcript-rebuilt; emitter-appended) ---
"""Pipeline reference for scband-ivgae-18064632447352 (READ-ONLY COPY).

The authoritative reference and input builder live on the scoring server;
editing this copy changes nothing except your own understanding.
"""

import jax, jax.numpy as jnp
import numpy as np

N = 10000
E = 320000
D_IN = 128
D_HID = 128
D_LAT = 64
D_OUT = 128


def setup_inputs(seed: int = 0) -> dict:
    key = jax.random.key(seed)
    k = jax.random.split(key, 10)
    x = jax.random.normal(k[0], (N, D_IN), dtype=jnp.float32)
    edge_index = jax.random.randint(k[1], (2, E), 0, N, dtype=jnp.int64)
    W1 = jax.random.normal(k[2], (D_IN, D_HID), dtype=jnp.float32) * (1.0 / np.sqrt(D_IN))
    Wmu = jax.random.normal(k[3], (D_HID, D_LAT), dtype=jnp.float32) * (1.0 / np.sqrt(D_HID))
    Wlogstd = jax.random.normal(k[4], (D_HID, D_LAT), dtype=jnp.float32) * (1.0 / np.sqrt(D_HID))
    Wdec = jax.random.normal(k[5], (D_OUT, D_LAT), dtype=jnp.float32) * (1.0 / np.sqrt(D_LAT))
    bdec = jnp.zeros((D_OUT,), dtype=jnp.float32)
    mask = jnp.ones((D_OUT, D_LAT), dtype=jnp.float32)
    return {"x": x, "edge_index": edge_index, "W1": W1, "Wmu": Wmu, "Wlogstd": Wlogstd, "Wdec": Wdec, "bdec": bdec, "mask": mask}


def _gcn_conv(x, W, src, dst, dinv):
    # GCNConv: D^-1/2 (A + I) D^-1/2 X W
    h = x @ W
    norm = (dinv[src] * dinv[dst])[:, None]
    msg = h[src] * norm
    out = jax.ops.segment_sum(msg, dst, num_segments=N)
    # self-loop contribution
    out = out + h * (dinv * dinv)[:, None]
    return out


def reference(x, edge_index, W1, Wmu, Wlogstd, Wdec, bdec, mask):
    src = edge_index[0]
    dst = edge_index[1]
    deg = jnp.bincount(dst, length=N).astype(jnp.float32) + 1.0  # +1 for self loop
    dinv = 1.0 / jnp.sqrt(deg)
    # GCNEncoder: shared hidden conv + relu, then mu / logstd convs (dropout=0.0, eval)
    h = jax.nn.relu(_gcn_conv(x, W1, src, dst, dinv))
    mu = _gcn_conv(h, Wmu, src, dst, dinv)
    logstd = _gcn_conv(h, Wlogstd, src, dst, dinv)
    # reparameterize in eval mode: z = mu
    z = mu
    # DotProductGraphDecoder (dropout=0.0): full adjacency logits
    adj_recon_logits = z @ z.T
    # MaskedLinearExprDecoder with nb recon loss: masked linear + softmax (dec_mean_gamma)
    expr_out = jax.nn.softmax(z @ (Wdec * mask).T + bdec, axis=-1)
    return (adj_recon_logits, expr_out, mu, logstd)

if __name__ == "__main__":
    import jax
    _d = setup_inputs()
    print(jax.jit(kernel)(*tuple(_d.values())))

</pallas_src>

<mosaic_0001>
#map = affine_map<(d0, d1) -> (0, 0)>
#map1 = affine_map<(d0, d1) -> (0)>
#map2 = affine_map<(d0, d1) -> (0, 0, 0)>
module attributes {stable_mosaic.version = 14 : i64} {
  func.func @segsum_k(%arg0: i32, %arg1: i32, %arg2: memref<10240x128xf32, #tpu.memory_space<hbm>>, %arg3: memref<327680xi32, #tpu.memory_space<hbm>>, %arg4: memref<327680xi32, #tpu.memory_space<hbm>>, %arg5: memref<640x128xf32, #tpu.memory_space<hbm>>, %arg6: memref<2x10240x128xf32, #tpu.memory_space<hbm>>, %arg7: memref<128xi32, #tpu.memory_space<vmem>>, %arg8: memref<128xi32, #tpu.memory_space<vmem>>, %arg9: memref<128x128xf32, #tpu.memory_space<vmem>>, %arg10: memref<10240x128xf32, #tpu.memory_space<vmem_shared>>, %arg11: memref<!tpu.dma_semaphore, #tpu.memory_space<semaphore_mem>>) attributes {dimension_semantics = [#tpu.dimension_semantics<core_parallel>, #tpu.dimension_semantics<subcore_parallel>], iteration_bounds = array<i64: 2, 16>, scalar_prefetch = 0 : i64, scratch_operands = 5 : i64, tpu.core_type = #tpu.core_type<sc_vector_subcore>, window_params = [{transform_indices = #map}, {transform_indices = #map1}, {transform_indices = #map1}, {transform_indices = #map}, {transform_indices = #map2}]} {
    %mul3A = arith.constant 2 : i32
    %mul3A_0 = arith.muli %arg1, %mul3A : i32
    %add3A = arith.addi %mul3A_0, %arg0 : i32
    %mul3A_1 = arith.constant 640 : i32
    %mul3A_2 = arith.muli %arg1, %mul3A_1 : i32
    "tpu.region"() ({
      %run_scoped3A = tpu.sem_alloc : memref<!tpu.dma_semaphore, #tpu.memory_space<semaphore_mem>>
      %dma_start3A = arith.constant 0 : i32
      %dma_start3A_15 = tpu.memref_slice %arg10[%mul3A_2, %dma_start3A] : memref<10240x128xf32, #tpu.memory_space<vmem_shared>> -> memref<640x128xf32, #tpu.memory_space<vmem_shared>>
      tpu.enqueue_dma source(%arg5 : memref<640x128xf32, #tpu.memory_space<hbm>>) target(%dma_start3A_15 : memref<640x128xf32, #tpu.memory_space<vmem_shared>>) target_semaphore(%run_scoped3A : memref<!tpu.dma_semaphore, #tpu.memory_space<semaphore_mem>>)
      %dma_wait3A = arith.constant 0 : i32
      %dma_wait3A_16 = tpu.memref_slice %arg10[%mul3A_2, %dma_wait3A] : memref<10240x128xf32, #tpu.memory_space<vmem_shared>> -> memref<640x128xf32, #tpu.memory_space<vmem_shared>>
      tpu.wait_dma2 semaphore(%run_scoped3A : memref<!tpu.dma_semaphore, #tpu.memory_space<semaphore_mem>>) src(%arg5 : memref<640x128xf32, #tpu.memory_space<hbm>>) dst(%dma_wait3A_16 : memref<640x128xf32, #tpu.memory_space<vmem_shared>>)
      tpu.yield
    }) : () -> ()
    %barrier3A = arith.constant 0 : index
    tpu.barrier barrier_id(%barrier3A)
    %mul3A_3 = arith.constant 80 : i32
    %mul3A_4 = arith.muli %add3A, %mul3A_3 : i32
    %scan3A = arith.constant 0 : i32
    %scan3A_5 = arith.constant 0 : i32
    %scan3A_6 = arith.constant 80 : i32
    %scan3A_7 = arith.addi %scan3A_5, %scan3A_6 : i32
    %scan3A_8 = arith.constant 1 : i32
    scf.for %scan3A_15 = %scan3A_5 to %scan3A_7 step %scan3A_8  : i32 {
      %add3A_16 = arith.addi %mul3A_4, %scan3A_15 : i32
      %mul3A_17 = arith.constant 128 : i32
      %mul3A_18 = arith.muli %add3A_16, %mul3A_17 : i32
      "tpu.region"() ({
        %run_scoped3A = tpu.sem_alloc : memref<!tpu.dma_semaphore, #tpu.memory_space<semaphore_mem>>
        %dma_start3A_23 = tpu.memref_slice %arg3[%mul3A_18] : memref<327680xi32, #tpu.memory_space<hbm>> -> memref<128xi32, #tpu.memory_space<hbm>>
        %dma_start3A_24 = tpu.memref_slice %arg3[%mul3A_18] : memref<327680xi32, #tpu.memory_space<hbm>> -> memref<128xi32, #tpu.memory_space<hbm>>
        tpu.enqueue_dma source(%dma_start3A_24 : memref<128xi32, #tpu.memory_space<hbm>>) target(%arg7 : memref<128xi32, #tpu.memory_space<vmem>>) target_semaphore(%run_scoped3A : memref<!tpu.dma_semaphore, #tpu.memory_space<semaphore_mem>>)
        %dma_wait3A_25 = tpu.memref_slice %arg3[%mul3A_18] : memref<327680xi32, #tpu.memory_space<hbm>> -> memref<128xi32, #tpu.memory_space<hbm>>
        %dma_wait3A_26 = tpu.memref_slice %arg3[%mul3A_18] : memref<327680xi32, #tpu.memory_space<hbm>> -> memref<128xi32, #tpu.memory_space<hbm>>
        tpu.wait_dma2 semaphore(%run_scoped3A : memref<!tpu.dma_semaphore, #tpu.memory_space<semaphore_mem>>) src(%dma_wait3A_26 : memref<128xi32, #tpu.memory_space<hbm>>) dst(%arg7 : memref<128xi32, #tpu.memory_space<vmem>>)
        tpu.yield
      }) : () -> ()
      "tpu.region"() ({
        %run_scoped3A = tpu.sem_alloc : memref<!tpu.dma_semaphore, #tpu.memory_space<semaphore_mem>>
        %dma_start3A_23 = tpu.memref_slice %arg4[%mul3A_18] : memref<327680xi32, #tpu.memory_space<hbm>> -> memref<128xi32, #tpu.memory_space<hbm>>
        %dma_start3A_24 = tpu.memref_slice %arg4[%mul3A_18] : memref<327680xi32, #tpu.memory_space<hbm>> -> memref<128xi32, #tpu.memory_space<hbm>>
        tpu.enqueue_dma source(%dma_start3A_24 : memref<128xi32, #tpu.memory_space<hbm>>) target(%arg8 : memref<128xi32, #tpu.memory_space<vmem>>) target_semaphore(%run_scoped3A : memref<!tpu.dma_semaphore, #tpu.memory_space<semaphore_mem>>)
        %dma_wait3A_25 = tpu.memref_slice %arg4[%mul3A_18] : memref<327680xi32, #tpu.memory_space<hbm>> -> memref<128xi32, #tpu.memory_space<hbm>>
        %dma_wait3A_26 = tpu.memref_slice %arg4[%mul3A_18] : memref<327680xi32, #tpu.memory_space<hbm>> -> memref<128xi32, #tpu.memory_space<hbm>>
        tpu.wait_dma2 semaphore(%run_scoped3A : memref<!tpu.dma_semaphore, #tpu.memory_space<semaphore_mem>>) src(%dma_wait3A_26 : memref<128xi32, #tpu.memory_space<hbm>>) dst(%arg8 : memref<128xi32, #tpu.memory_space<vmem>>)
        tpu.yield
      }) : () -> ()
      %dma_start3A = arith.constant 0 : i32
      %dma_start3A_19 = arith.constant 0 : i32
      %dma_start3A_20 = tpu.memref_slice %arg2[%dma_start3A, %dma_start3A_19] : memref<10240x128xf32, #tpu.memory_space<hbm>> -> memref<10240x128xf32, #tpu.memory_space<hbm>>
      tpu.enqueue_indirect_dma source(%dma_start3A_20 : memref<10240x128xf32, #tpu.memory_space<hbm>>) target(%arg9 : memref<128x128xf32, #tpu.memory_space<vmem>>) offsets(%arg7 : memref<128xi32, #tpu.memory_space<vmem>>) semaphore(%arg11 : memref<!tpu.dma_semaphore, #tpu.memory_space<semaphore_mem>>)
      %dma_wait3A = arith.constant 0 : i32
      %dma_wait3A_21 = arith.constant 0 : i32
      %dma_wait3A_22 = tpu.memref_slice %arg2[%dma_wait3A, %dma_wait3A_21] : memref<10240x128xf32, #tpu.memory_space<hbm>> -> memref<10240x128xf32, #tpu.memory_space<hbm>>
      tpu.wait_indirect_dma semaphore(%arg11 : memref<!tpu.dma_semaphore, #tpu.memory_space<semaphore_mem>>) src(%dma_wait3A_22 : memref<10240x128xf32, #tpu.memory_space<hbm>>) dst(%arg9 : memref<128x128xf32, #tpu.memory_space<vmem>>)
      "tpu.region"() ({
        %run_scoped3A = tpu.sem_alloc : memref<!tpu.dma_semaphore, #tpu.memory_space<semaphore_mem>>
        %dma_start3A_23 = arith.constant 0 : i32
        %dma_start3A_24 = arith.constant 0 : i32
        %dma_start3A_25 = tpu.memref_slice %arg10[%dma_start3A_23, %dma_start3A_24] : memref<10240x128xf32, #tpu.memory_space<vmem_shared>> -> memref<10240x128xf32, #tpu.memory_space<vmem_shared>>
        tpu.enqueue_indirect_dma source(%arg9 : memref<128x128xf32, #tpu.memory_space<vmem>>) target(%dma_start3A_25 : memref<10240x128xf32, #tpu.memory_space<vmem_shared>>) offsets(%arg8 : memref<128xi32, #tpu.memory_space<vmem>>) semaphore(%run_scoped3A : memref<!tpu.dma_semaphore, #tpu.memory_space<semaphore_mem>>) {add = true}
        %dma_wait3A_26 = arith.constant 0 : i32
        %dma_wait3A_27 = arith.constant 0 : i32
        %dma_wait3A_28 = tpu.memref_slice %arg10[%dma_wait3A_26, %dma_wait3A_27] : memref<10240x128xf32, #tpu.memory_space<vmem_shared>> -> memref<10240x128xf32, #tpu.memory_space<vmem_shared>>
        tpu.wait_indirect_dma semaphore(%run_scoped3A : memref<!tpu.dma_semaphore, #tpu.memory_space<semaphore_mem>>) src(%arg9 : memref<128x128xf32, #tpu.memory_space<vmem>>) dst(%dma_wait3A_28 : memref<10240x128xf32, #tpu.memory_space<vmem_shared>>)
        tpu.yield
      }) : () -> ()
    }
    %scan3A_9 = arith.constant 80 : i32
    %barrier3A_10 = arith.constant 0 : index
    tpu.barrier barrier_id(%barrier3A_10)
    %mul3A_11 = arith.constant 640 : i32
    %mul3A_12 = arith.muli %arg1, %mul3A_11 : i32
    %mul3A_13 = arith.constant 640 : i32
    %mul3A_14 = arith.muli %arg1, %mul3A_13 : i32
    "tpu.region"() ({
      %run_scoped3A = tpu.sem_alloc : memref<!tpu.dma_semaphore, #tpu.memory_space<semaphore_mem>>
      %dma_start3A = arith.constant 0 : i32
      %dma_start3A_15 = tpu.memref_slice %arg6[%arg0, %mul3A_14, %dma_start3A] : memref<2x10240x128xf32, #tpu.memory_space<hbm>> -> memref<1x640x128xf32, #tpu.memory_space<hbm>>
      %dma_start3A_16 = tpu.memref_squeeze %dma_start3A_15 : memref<1x640x128xf32, #tpu.memory_space<hbm>> -> memref<640x128xf32, #tpu.memory_space<hbm>>
      %dma_start3A_17 = arith.constant 0 : i32
      %dma_start3A_18 = tpu.memref_slice %arg10[%mul3A_12, %dma_start3A_17] : memref<10240x128xf32, #tpu.memory_space<vmem_shared>> -> memref<640x128xf32, #tpu.memory_space<vmem_shared>>
      tpu.enqueue_dma source(%dma_start3A_18 : memref<640x128xf32, #tpu.memory_space<vmem_shared>>) target(%dma_start3A_16 : memref<640x128xf32, #tpu.memory_space<hbm>>) target_semaphore(%run_scoped3A : memref<!tpu.dma_semaphore, #tpu.memory_space<semaphore_mem>>)
      %dma_wait3A = arith.constant 0 : i32
      %dma_wait3A_19 = tpu.memref_slice %arg6[%arg0, %mul3A_14, %dma_wait3A] : memref<2x10240x128xf32, #tpu.memory_space<hbm>> -> memref<1x640x128xf32, #tpu.memory_space<hbm>>
      %dma_wait3A_20 = tpu.memref_squeeze %dma_wait3A_19 : memref<1x640x128xf32, #tpu.memory_space<hbm>> -> memref<640x128xf32, #tpu.memory_space<hbm>>
      %dma_wait3A_21 = arith.constant 0 : i32
      %dma_wait3A_22 = tpu.memref_slice %arg10[%mul3A_12, %dma_wait3A_21] : memref<10240x128xf32, #tpu.memory_space<vmem_shared>> -> memref<640x128xf32, #tpu.memory_space<vmem_shared>>
      tpu.wait_dma2 semaphore(%run_scoped3A : memref<!tpu.dma_semaphore, #tpu.memory_space<semaphore_mem>>) src(%dma_wait3A_22 : memref<640x128xf32, #tpu.memory_space<vmem_shared>>) dst(%dma_wait3A_20 : memref<640x128xf32, #tpu.memory_space<hbm>>)
      tpu.yield
    }) : () -> ()
    return
  }
}

#map = affine_map<(d0, d1) -> (0)>
#map1 = affine_map<(d0, d1) -> (0, 0)>
#map2 = affine_map<(d0, d1) -> (0, 0, 0)>
module attributes {stable_mosaic.version = 14 : i64} {
  func.func @bincount_k(%arg0: i32, %arg1: i32, %arg2: memref<327680xi32, #tpu.memory_space<hbm>>, %arg3: memref<128x128xf32, #tpu.memory_space<hbm>>, %arg4: memref<640x128xf32, #tpu.memory_space<hbm>>, %arg5: memref<2x10240x128xf32, #tpu.memory_space<hbm>>, %arg6: memref<128xi32, #tpu.memory_space<vmem>>, %arg7: memref<128x128xf32, #tpu.memory_space<vmem>>, %arg8: memref<10240x128xf32, #tpu.memory_space<vmem_shared>>) attributes {dimension_semantics = [#tpu.dimension_semantics<core_parallel>, #tpu.dimension_semantics<subcore_parallel>], iteration_bounds = array<i64: 2, 16>, scalar_prefetch = 0 : i64, scratch_operands = 3 : i64, tpu.core_type = #tpu.core_type<sc_vector_subcore>, window_params = [{transform_indices = #map}, {transform_indices = #map1}, {transform_indices = #map1}, {transform_indices = #map2}]} {
    %mul3A = arith.constant 2 : i32
    %mul3A_0 = arith.muli %arg1, %mul3A : i32
    %add3A = arith.addi %mul3A_0, %arg0 : i32
    "tpu.region"() ({
      %run_scoped3A = tpu.sem_alloc : memref<!tpu.dma_semaphore, #tpu.memory_space<semaphore_mem>>
      tpu.enqueue_dma source(%arg3 : memref<128x128xf32, #tpu.memory_space<hbm>>) target(%arg7 : memref<128x128xf32, #tpu.memory_space<vmem>>) target_semaphore(%run_scoped3A : memref<!tpu.dma_semaphore, #tpu.memory_space<semaphore_mem>>)
      tpu.wait_dma2 semaphore(%run_scoped3A : memref<!tpu.dma_semaphore, #tpu.memory_space<semaphore_mem>>) src(%arg3 : memref<128x128xf32, #tpu.memory_space<hbm>>) dst(%arg7 : memref<128x128xf32, #tpu.memory_space<vmem>>)
      tpu.yield
    }) : () -> ()
    %mul3A_1 = arith.constant 640 : i32
    %mul3A_2 = arith.muli %arg1, %mul3A_1 : i32
    "tpu.region"() ({
      %run_scoped3A = tpu.sem_alloc : memref<!tpu.dma_semaphore, #tpu.memory_space<semaphore_mem>>
      %dma_start3A = arith.constant 0 : i32
      %dma_start3A_15 = tpu.memref_slice %arg8[%mul3A_2, %dma_start3A] : memref<10240x128xf32, #tpu.memory_space<vmem_shared>> -> memref<640x128xf32, #tpu.memory_space<vmem_shared>>
      tpu.enqueue_dma source(%arg4 : memref<640x128xf32, #tpu.memory_space<hbm>>) target(%dma_start3A_15 : memref<640x128xf32, #tpu.memory_space<vmem_shared>>) target_semaphore(%run_scoped3A : memref<!tpu.dma_semaphore, #tpu.memory_space<semaphore_mem>>)
      %dma_wait3A = arith.constant 0 : i32
      %dma_wait3A_16 = tpu.memref_slice %arg8[%mul3A_2, %dma_wait3A] : memref<10240x128xf32, #tpu.memory_space<vmem_shared>> -> memref<640x128xf32, #tpu.memory_space<vmem_shared>>
      tpu.wait_dma2 semaphore(%run_scoped3A : memref<!tpu.dma_semaphore, #tpu.memory_space<semaphore_mem>>) src(%arg4 : memref<640x128xf32, #tpu.memory_space<hbm>>) dst(%dma_wait3A_16 : memref<640x128xf32, #tpu.memory_space<vmem_shared>>)
      tpu.yield
    }) : () -> ()
    %barrier3A = arith.constant 0 : index
    tpu.barrier barrier_id(%barrier3A)
    %mul3A_3 = arith.constant 80 : i32
    %mul3A_4 = arith.muli %add3A, %mul3A_3 : i32
    %scan3A = arith.constant 0 : i32
    %scan3A_5 = arith.constant 0 : i32
    %scan3A_6 = arith.constant 80 : i32
    %scan3A_7 = arith.addi %scan3A_5, %scan3A_6 : i32
    %scan3A_8 = arith.constant 1 : i32
    scf.for %scan3A_15 = %scan3A_5 to %scan3A_7 step %scan3A_8  : i32 {
      %add3A_16 = arith.addi %mul3A_4, %scan3A_15 : i32
      %mul3A_17 = arith.constant 128 : i32
      %mul3A_18 = arith.muli %add3A_16, %mul3A_17 : i32
      "tpu.region"() ({
        %run_scoped3A = tpu.sem_alloc : memref<!tpu.dma_semaphore, #tpu.memory_space<semaphore_mem>>
        %dma_start3A = tpu.memref_slice %arg2[%mul3A_18] : memref<327680xi32, #tpu.memory_space<hbm>> -> memref<128xi32, #tpu.memory_space<hbm>>
        %dma_start3A_19 = tpu.memref_slice %arg2[%mul3A_18] : memref<327680xi32, #tpu.memory_space<hbm>> -> memref<128xi32, #tpu.memory_space<hbm>>
        tpu.enqueue_dma source(%dma_start3A_19 : memref<128xi32, #tpu.memory_space<hbm>>) target(%arg6 : memref<128xi32, #tpu.memory_space<vmem>>) target_semaphore(%run_scoped3A : memref<!tpu.dma_semaphore, #tpu.memory_space<semaphore_mem>>)
        %dma_wait3A = tpu.memref_slice %arg2[%mul3A_18] : memref<327680xi32, #tpu.memory_space<hbm>> -> memref<128xi32, #tpu.memory_space<hbm>>
        %dma_wait3A_20 = tpu.memref_slice %arg2[%mul3A_18] : memref<327680xi32, #tpu.memory_space<hbm>> -> memref<128xi32, #tpu.memory_space<hbm>>
        tpu.wait_dma2 semaphore(%run_scoped3A : memref<!tpu.dma_semaphore, #tpu.memory_space<semaphore_mem>>) src(%dma_wait3A_20 : memref<128xi32, #tpu.memory_space<hbm>>) dst(%arg6 : memref<128xi32, #tpu.memory_space<vmem>>)
        tpu.yield
      }) : () -> ()
      "tpu.region"() ({
        %run_scoped3A = tpu.sem_alloc : memref<!tpu.dma_semaphore, #tpu.memory_space<semaphore_mem>>
        %dma_start3A = arith.constant 0 : i32
        %dma_start3A_19 = arith.constant 0 : i32
        %dma_start3A_20 = tpu.memref_slice %arg8[%dma_start3A, %dma_start3A_19] : memref<10240x128xf32, #tpu.memory_space<vmem_shared>> -> memref<10240x128xf32, #tpu.memory_space<vmem_shared>>
        tpu.enqueue_indirect_dma source(%arg7 : memref<128x128xf32, #tpu.memory_space<vmem>>) target(%dma_start3A_20 : memref<10240x128xf32, #tpu.memory_space<vmem_shared>>) offsets(%arg6 : memref<128xi32, #tpu.memory_space<vmem>>) semaphore(%run_scoped3A : memref<!tpu.dma_semaphore, #tpu.memory_space<semaphore_mem>>) {add = true}
        %dma_wait3A = arith.constant 0 : i32
        %dma_wait3A_21 = arith.constant 0 : i32
        %dma_wait3A_22 = tpu.memref_slice %arg8[%dma_wait3A, %dma_wait3A_21] : memref<10240x128xf32, #tpu.memory_space<vmem_shared>> -> memref<10240x128xf32, #tpu.memory_space<vmem_shared>>
        tpu.wait_indirect_dma semaphore(%run_scoped3A : memref<!tpu.dma_semaphore, #tpu.memory_space<semaphore_mem>>) src(%arg7 : memref<128x128xf32, #tpu.memory_space<vmem>>) dst(%dma_wait3A_22 : memref<10240x128xf32, #tpu.memory_space<vmem_shared>>)
        tpu.yield
      }) : () -> ()
    }
    %scan3A_9 = arith.constant 80 : i32
    %barrier3A_10 = arith.constant 0 : index
    tpu.barrier barrier_id(%barrier3A_10)
    %mul3A_11 = arith.constant 640 : i32
    %mul3A_12 = arith.muli %arg1, %mul3A_11 : i32
    %mul3A_13 = arith.constant 640 : i32
    %mul3A_14 = arith.muli %arg1, %mul3A_13 : i32
    "tpu.region"() ({
      %run_scoped3A = tpu.sem_alloc : memref<!tpu.dma_semaphore, #tpu.memory_space<semaphore_mem>>
      %dma_start3A = arith.constant 0 : i32
      %dma_start3A_15 = tpu.memref_slice %arg5[%arg0, %mul3A_14, %dma_start3A] : memref<2x10240x128xf32, #tpu.memory_space<hbm>> -> memref<1x640x128xf32, #tpu.memory_space<hbm>>
      %dma_start3A_16 = tpu.memref_squeeze %dma_start3A_15 : memref<1x640x128xf32, #tpu.memory_space<hbm>> -> memref<640x128xf32, #tpu.memory_space<hbm>>
      %dma_start3A_17 = arith.constant 0 : i32
      %dma_start3A_18 = tpu.memref_slice %arg8[%mul3A_12, %dma_start3A_17] : memref<10240x128xf32, #tpu.memory_space<vmem_shared>> -> memref<640x128xf32, #tpu.memory_space<vmem_shared>>
      tpu.enqueue_dma source(%dma_start3A_18 : memref<640x128xf32, #tpu.memory_space<vmem_shared>>) target(%dma_start3A_16 : memref<640x128xf32, #tpu.memory_space<hbm>>) target_semaphore(%run_scoped3A : memref<!tpu.dma_semaphore, #tpu.memory_space<semaphore_mem>>)
      %dma_wait3A = arith.constant 0 : i32
      %dma_wait3A_19 = tpu.memref_slice %arg5[%arg0, %mul3A_14, %dma_wait3A] : memref<2x10240x128xf32, #tpu.memory_space<hbm>> -> memref<1x640x128xf32, #tpu.memory_space<hbm>>
      %dma_wait3A_20 = tpu.memref_squeeze %dma_wait3A_19 : memref<1x640x128xf32, #tpu.memory_space<hbm>> -> memref<640x128xf32, #tpu.memory_space<hbm>>
      %dma_wait3A_21 = arith.constant 0 : i32
      %dma_wait3A_22 = tpu.memref_slice %arg8[%mul3A_12, %dma_wait3A_21] : memref<10240x128xf32, #tpu.memory_space<vmem_shared>> -> memref<640x128xf32, #tpu.memory_space<vmem_shared>>
      tpu.wait_dma2 semaphore(%run_scoped3A : memref<!tpu.dma_semaphore, #tpu.memory_space<semaphore_mem>>) src(%dma_wait3A_22 : memref<640x128xf32, #tpu.memory_space<vmem_shared>>) dst(%dma_wait3A_20 : memref<640x128xf32, #tpu.memory_space<hbm>>)
      tpu.yield
    }) : () -> ()
    return
  }
}

#map = affine_map<(d0, d1) -> (0, 0)>
#map1 = affine_map<(d0, d1) -> (0)>
#map2 = affine_map<(d0, d1) -> (0, 0, 0)>
module attributes {stable_mosaic.version = 14 : i64} {
  func.func @segsum_k(%arg0: i32, %arg1: i32, %arg2: memref<10240x128xf32, #tpu.memory_space<hbm>>, %arg3: memref<327680xi32, #tpu.memory_space<hbm>>, %arg4: memref<327680xi32, #tpu.memory_space<hbm>>, %arg5: memref<640x128xf32, #tpu.memory_space<hbm>>, %arg6: memref<2x10240x128xf32, #tpu.memory_space<hbm>>, %arg7: memref<128xi32, #tpu.memory_space<vmem>>, %arg8: memref<128xi32, #tpu.memory_space<vmem>>, %arg9: memref<128x128xf32, #tpu.memory_space<vmem>>, %arg10: memref<10240x128xf32, #tpu.memory_space<vmem_shared>>, %arg11: memref<!tpu.dma_semaphore, #tpu.memory_space<semaphore_mem>>) attributes {dimension_semantics = [#tpu.dimension_semantics<core_parallel>, #tpu.dimension_semantics<subcore_parallel>], iteration_bounds = array<i64: 2, 16>, scalar_prefetch = 0 : i64, scratch_operands = 5 : i64, tpu.core_type = #tpu.core_type<sc_vector_subcore>, window_params = [{transform_indices = #map}, {transform_indices = #map1}, {transform_indices = #map1}, {transform_indices = #map}, {transform_indices = #map2}]} {
    %mul3A = arith.constant 2 : i32
    %mul3A_0 = arith.muli %arg1, %mul3A : i32
    %add3A = arith.addi %mul3A_0, %arg0 : i32
    %mul3A_1 = arith.constant 640 : i32
    %mul3A_2 = arith.muli %arg1, %mul3A_1 : i32
    "tpu.region"() ({
      %run_scoped3A = tpu.sem_alloc : memref<!tpu.dma_semaphore, #tpu.memory_space<semaphore_mem>>
      %dma_start3A = arith.constant 0 : i32
      %dma_start3A_15 = tpu.memref_slice %arg10[%mul3A_2, %dma_start3A] : memref<10240x128xf32, #tpu.memory_space<vmem_shared>> -> memref<640x128xf32, #tpu.memory_space<vmem_shared>>
      tpu.enqueue_dma source(%arg5 : memref<640x128xf32, #tpu.memory_space<hbm>>) target(%dma_start3A_15 : memref<640x128xf32, #tpu.memory_space<vmem_shared>>) target_semaphore(%run_scoped3A : memref<!tpu.dma_semaphore, #tpu.memory_space<semaphore_mem>>)
      %dma_wait3A = arith.constant 0 : i32
      %dma_wait3A_16 = tpu.memref_slice %arg10[%mul3A_2, %dma_wait3A] : memref<10240x128xf32, #tpu.memory_space<vmem_shared>> -> memref<640x128xf32, #tpu.memory_space<vmem_shared>>
      tpu.wait_dma2 semaphore(%run_scoped3A : memref<!tpu.dma_semaphore, #tpu.memory_space<semaphore_mem>>) src(%arg5 : memref<640x128xf32, #tpu.memory_space<hbm>>) dst(%dma_wait3A_16 : memref<640x128xf32, #tpu.memory_space<vmem_shared>>)
      tpu.yield
    }) : () -> ()
    %barrier3A = arith.constant 0 : index
    tpu.barrier barrier_id(%barrier3A)
    %mul3A_3 = arith.constant 80 : i32
    %mul3A_4 = arith.muli %add3A, %mul3A_3 : i32
    %scan3A = arith.constant 0 : i32
    %scan3A_5 = arith.constant 0 : i32
    %scan3A_6 = arith.constant 80 : i32
    %scan3A_7 = arith.addi %scan3A_5, %scan3A_6 : i32
    %scan3A_8 = arith.constant 1 : i32
    scf.for %scan3A_15 = %scan3A_5 to %scan3A_7 step %scan3A_8  : i32 {
      %add3A_16 = arith.addi %mul3A_4, %scan3A_15 : i32
      %mul3A_17 = arith.constant 128 : i32
      %mul3A_18 = arith.muli %add3A_16, %mul3A_17 : i32
      "tpu.region"() ({
        %run_scoped3A = tpu.sem_alloc : memref<!tpu.dma_semaphore, #tpu.memory_space<semaphore_mem>>
        %dma_start3A_23 = tpu.memref_slice %arg3[%mul3A_18] : memref<327680xi32, #tpu.memory_space<hbm>> -> memref<128xi32, #tpu.memory_space<hbm>>
        %dma_start3A_24 = tpu.memref_slice %arg3[%mul3A_18] : memref<327680xi32, #tpu.memory_space<hbm>> -> memref<128xi32, #tpu.memory_space<hbm>>
        tpu.enqueue_dma source(%dma_start3A_24 : memref<128xi32, #tpu.memory_space<hbm>>) target(%arg7 : memref<128xi32, #tpu.memory_space<vmem>>) target_semaphore(%run_scoped3A : memref<!tpu.dma_semaphore, #tpu.memory_space<semaphore_mem>>)
        %dma_wait3A_25 = tpu.memref_slice %arg3[%mul3A_18] : memref<327680xi32, #tpu.memory_space<hbm>> -> memref<128xi32, #tpu.memory_space<hbm>>
        %dma_wait3A_26 = tpu.memref_slice %arg3[%mul3A_18] : memref<327680xi32, #tpu.memory_space<hbm>> -> memref<128xi32, #tpu.memory_space<hbm>>
        tpu.wait_dma2 semaphore(%run_scoped3A : memref<!tpu.dma_semaphore, #tpu.memory_space<semaphore_mem>>) src(%dma_wait3A_26 : memref<128xi32, #tpu.memory_space<hbm>>) dst(%arg7 : memref<128xi32, #tpu.memory_space<vmem>>)
        tpu.yield
      }) : () -> ()
      "tpu.region"() ({
        %run_scoped3A = tpu.sem_alloc : memref<!tpu.dma_semaphore, #tpu.memory_space<semaphore_mem>>
        %dma_start3A_23 = tpu.memref_slice %arg4[%mul3A_18] : memref<327680xi32, #tpu.memory_space<hbm>> -> memref<128xi32, #tpu.memory_space<hbm>>
        %dma_start3A_24 = tpu.memref_slice %arg4[%mul3A_18] : memref<327680xi32, #tpu.memory_space<hbm>> -> memref<128xi32, #tpu.memory_space<hbm>>
        tpu.enqueue_dma source(%dma_start3A_24 : memref<128xi32, #tpu.memory_space<hbm>>) target(%arg8 : memref<128xi32, #tpu.memory_space<vmem>>) target_semaphore(%run_scoped3A : memref<!tpu.dma_semaphore, #tpu.memory_space<semaphore_mem>>)
        %dma_wait3A_25 = tpu.memref_slice %arg4[%mul3A_18] : memref<327680xi32, #tpu.memory_space<hbm>> -> memref<128xi32, #tpu.memory_space<hbm>>
        %dma_wait3A_26 = tpu.memref_slice %arg4[%mul3A_18] : memref<327680xi32, #tpu.memory_space<hbm>> -> memref<128xi32, #tpu.memory_space<hbm>>
        tpu.wait_dma2 semaphore(%run_scoped3A : memref<!tpu.dma_semaphore, #tpu.memory_space<semaphore_mem>>) src(%dma_wait3A_26 : memref<128xi32, #tpu.memory_space<hbm>>) dst(%arg8 : memref<128xi32, #tpu.memory_space<vmem>>)
        tpu.yield
      }) : () -> ()
      %dma_start3A = arith.constant 0 : i32
      %dma_start3A_19 = arith.constant 0 : i32
      %dma_start3A_20 = tpu.memref_slice %arg2[%dma_start3A, %dma_start3A_19] : memref<10240x128xf32, #tpu.memory_space<hbm>> -> memref<10240x128xf32, #tpu.memory_space<hbm>>
      tpu.enqueue_indirect_dma source(%dma_start3A_20 : memref<10240x128xf32, #tpu.memory_space<hbm>>) target(%arg9 : memref<128x128xf32, #tpu.memory_space<vmem>>) offsets(%arg7 : memref<128xi32, #tpu.memory_space<vmem>>) semaphore(%arg11 : memref<!tpu.dma_semaphore, #tpu.memory_space<semaphore_mem>>)
      %dma_wait3A = arith.constant 0 : i32
      %dma_wait3A_21 = arith.constant 0 : i32
      %dma_wait3A_22 = tpu.memref_slice %arg2[%dma_wait3A, %dma_wait3A_21] : memref<10240x128xf32, #tpu.memory_space<hbm>> -> memref<10240x128xf32, #tpu.memory_space<hbm>>
      tpu.wait_indirect_dma semaphore(%arg11 : memref<!tpu.dma_semaphore, #tpu.memory_space<semaphore_mem>>) src(%dma_wait3A_22 : memref<10240x128xf32, #tpu.memory_space<hbm>>) dst(%arg9 : memref<128x128xf32, #tpu.memory_space<vmem>>)
      "tpu.region"() ({
        %run_scoped3A = tpu.sem_alloc : memref<!tpu.dma_semaphore, #tpu.memory_space<semaphore_mem>>
        %dma_start3A_23 = arith.constant 0 : i32
        %dma_start3A_24 = arith.constant 0 : i32
        %dma_start3A_25 = tpu.memref_slice %arg10[%dma_start3A_23, %dma_start3A_24] : memref<10240x128xf32, #tpu.memory_space<vmem_shared>> -> memref<10240x128xf32, #tpu.memory_space<vmem_shared>>
        tpu.enqueue_indirect_dma source(%arg9 : memref<128x128xf32, #tpu.memory_space<vmem>>) target(%dma_start3A_25 : memref<10240x128xf32, #tpu.memory_space<vmem_shared>>) offsets(%arg8 : memref<128xi32, #tpu.memory_space<vmem>>) semaphore(%run_scoped3A : memref<!tpu.dma_semaphore, #tpu.memory_space<semaphore_mem>>) {add = true}
        %dma_wait3A_26 = arith.constant 0 : i32
        %dma_wait3A_27 = arith.constant 0 : i32
        %dma_wait3A_28 = tpu.memref_slice %arg10[%dma_wait3A_26, %dma_wait3A_27] : memref<10240x128xf32, #tpu.memory_space<vmem_shared>> -> memref<10240x128xf32, #tpu.memory_space<vmem_shared>>
        tpu.wait_indirect_dma semaphore(%run_scoped3A : memref<!tpu.dma_semaphore, #tpu.memory_space<semaphore_mem>>) src(%arg9 : memref<128x128xf32, #tpu.memory_space<vmem>>) dst(%dma_wait3A_28 : memref<10240x128xf32, #tpu.memory_space<vmem_shared>>)
        tpu.yield
      }) : () -> ()
    }
    %scan3A_9 = arith.constant 80 : i32
    %barrier3A_10 = arith.constant 0 : index
    tpu.barrier barrier_id(%barrier3A_10)
    %mul3A_11 = arith.constant 640 : i32
    %mul3A_12 = arith.muli %arg1, %mul3A_11 : i32
    %mul3A_13 = arith.constant 640 : i32
    %mul3A_14 = arith.muli %arg1, %mul3A_13 : i32
    "tpu.region"() ({
      %run_scoped3A = tpu.sem_alloc : memref<!tpu.dma_semaphore, #tpu.memory_space<semaphore_mem>>
      %dma_start3A = arith.constant 0 : i32
      %dma_start3A_15 = tpu.memref_slice %arg6[%arg0, %mul3A_14, %dma_start3A] : memref<2x10240x128xf32, #tpu.memory_space<hbm>> -> memref<1x640x128xf32, #tpu.memory_space<hbm>>
      %dma_start3A_16 = tpu.memref_squeeze %dma_start3A_15 : memref<1x640x128xf32, #tpu.memory_space<hbm>> -> memref<640x128xf32, #tpu.memory_space<hbm>>
      %dma_start3A_17 = arith.constant 0 : i32
      %dma_start3A_18 = tpu.memref_slice %arg10[%mul3A_12, %dma_start3A_17] : memref<10240x128xf32, #tpu.memory_space<vmem_shared>> -> memref<640x128xf32, #tpu.memory_space<vmem_shared>>
      tpu.enqueue_dma source(%dma_start3A_18 : memref<640x128xf32, #tpu.memory_space<vmem_shared>>) target(%dma_start3A_16 : memref<640x128xf32, #tpu.memory_space<hbm>>) target_semaphore(%run_scoped3A : memref<!tpu.dma_semaphore, #tpu.memory_space<semaphore_mem>>)
      %dma_wait3A = arith.constant 0 : i32
      %dma_wait3A_19 = tpu.memref_slice %arg6[%arg0, %mul3A_14, %dma_wait3A] : memref<2x10240x128xf32, #tpu.memory_space<hbm>> -> memref<1x640x128xf32, #tpu.memory_space<hbm>>
      %dma_wait3A_20 = tpu.memref_squeeze %dma_wait3A_19 : memref<1x640x128xf32, #tpu.memory_space<hbm>> -> memref<640x128xf32, #tpu.memory_space<hbm>>
      %dma_wait3A_21 = arith.constant 0 : i32
      %dma_wait3A_22 = tpu.memref_slice %arg10[%mul3A_12, %dma_wait3A_21] : memref<10240x128xf32, #tpu.memory_space<vmem_shared>> -> memref<640x128xf32, #tpu.memory_space<vmem_shared>>
      tpu.wait_dma2 semaphore(%run_scoped3A : memref<!tpu.dma_semaphore, #tpu.memory_space<semaphore_mem>>) src(%dma_wait3A_22 : memref<640x128xf32, #tpu.memory_space<vmem_shared>>) dst(%dma_wait3A_20 : memref<640x128xf32, #tpu.memory_space<hbm>>)
      tpu.yield
    }) : () -> ()
    return
  }
}

module attributes {stable_mosaic.version = 14 : i64} {
  func.func @_mm_body(%arg0: i32, %arg1: memref<1024x128xf32, #tpu.memory_space<vmem>>, %arg2: memref<128x128xf32, #tpu.memory_space<vmem>>, %arg3: memref<1024x128xf32, #tpu.memory_space<vmem>>) attributes {dimension_semantics = [#tpu.dimension_semantics<arbitrary>], iteration_bounds = array<i64: 10>, scalar_prefetch = 0 : i64, scratch_operands = 0 : i64, tpu.core_type = #tpu.core_type<tc>, window_params = [{transform_indices = @transform_0, window_bounds = array<i64: 1024, 128>}, {pipeline_mode = #tpu.pipeline_mode<synchronous>, transform_indices = @transform_1, window_bounds = array<i64: 128, 128>}, {transform_indices = @transform_2, window_bounds = array<i64: 1024, 128>}]} {
    %get3A = arith.constant 0 : index
    %get3A_0 = arith.constant 0 : index
    %get3A_1 = vector.load %arg1[%get3A, %get3A_0] : memref<1024x128xf32, #tpu.memory_space<vmem>>, vector<1024x128xf32>
    %get3A_2 = arith.constant 0 : index
    %get3A_3 = arith.constant 0 : index
    %get3A_4 = vector.load %arg2[%get3A_2, %get3A_3] : memref<128x128xf32, #tpu.memory_space<vmem>>, vector<128x128xf32>
    %dot_general3A = arith.constant dense<0.000000e+00> : vector<1024x128xf32>
    %dot_general3A_5 = tpu.matmul %get3A_1, %get3A_4, %dot_general3A {dimension_numbers = #tpu.dot_dimension_numbers<[1], [0], [0], [1], [0, 0, 1, 1], [], []>, transpose_lhs_hint = false} : vector<1024x128xf32>, vector<128x128xf32>, vector<1024x128xf32> -> vector<1024x128xf32>
    %swap3A = arith.constant 0 : index
    %swap3A_6 = arith.constant 0 : index
    %swap3A_7 = vector.load %arg3[%swap3A, %swap3A_6] : memref<1024x128xf32, #tpu.memory_space<vmem>>, vector<1024x128xf32>
    tpu.vector_store %arg3[%swap3A, %swap3A_6], %dot_general3A_5 {strides = array<i32>} : memref<1024x128xf32, #tpu.memory_space<vmem>>, vector<1024x128xf32>,
    return
  }
  func.func @transform_0(%arg0: i32) -> (i32, i32) {
    %c0_i32 = arith.constant 0 : i32
    %c0_i32_0 = arith.constant 0 : i32
    return %arg0, %c0_i32 : i32, i32
  }
  func.func @transform_1(%arg0: i32) -> (i32, i32) {
    %c0_i32 = arith.constant 0 : i32
    %c0_i32_0 = arith.constant 0 : i32
    %c0_i32_1 = arith.constant 0 : i32
    return %c0_i32, %c0_i32_0 : i32, i32
  }
  func.func @transform_2(%arg0: i32) -> (i32, i32) {
    %c0_i32 = arith.constant 0 : i32
    %c0_i32_0 = arith.constant 0 : i32
    return %arg0, %c0_i32 : i32, i32
  }
}

module attributes {stable_mosaic.version = 14 : i64} {
  func.func @_scale_body(%arg0: i32, %arg1: memref<2x2048x128xf32, #tpu.memory_space<vmem>>, %arg2: memref<2048x128xf32, #tpu.memory_space<vmem>>, %arg3: memref<2048x8xf32, #tpu.memory_space<vmem>>, %arg4: memref<2048x128xf32, #tpu.memory_space<vmem>>) attributes {dimension_semantics = [#tpu.dimension_semantics<arbitrary>], iteration_bounds = array<i64: 5>, scalar_prefetch = 0 : i64, scratch_operands = 0 : i64, tpu.core_type = #tpu.core_type<tc>, window_params = [{transform_indices = @transform_0, window_bounds = array<i64: 2, 2048, 128>}, {transform_indices = @transform_1, window_bounds = array<i64: 2048, 128>}, {transform_indices = @transform_2, window_bounds = array<i64: 2048, 8>}, {transform_indices = @transform_3, window_bounds = array<i64: 2048, 128>}]} {
    %get3A = arith.constant 0 : index
    %get3A_0 = arith.constant 0 : index
    %get3A_1 = arith.constant 0 : index
    %get3A_2 = vector.load %arg1[%get3A, %get3A_0, %get3A_1] : memref<2x2048x128xf32, #tpu.memory_space<vmem>>, vector<1x2048x1xf32>
    %get3A_3 = vector.shape_cast %get3A_2 : vector<1x2048x1xf32> to vector<2048x1xf32>
    %get3A_4 = arith.constant 1 : index
    %get3A_5 = arith.constant 0 : index
    %get3A_6 = arith.constant 0 : index
    %get3A_7 = vector.load %arg1[%get3A_4, %get3A_5, %get3A_6] : memref<2x2048x128xf32, #tpu.memory_space<vmem>>, vector<1x2048x1xf32>
    %get3A_8 = vector.shape_cast %get3A_7 : vector<1x2048x1xf32> to vector<2048x1xf32>
    %add3A = arith.addf %get3A_3, %get3A_8 : vector<2048x1xf32>
    %add3A_9 = arith.constant 1.000000e+00 : f32
    %add3A_10 = vector.broadcast %add3A_9 : f32 to vector<2048x1xf32>
    %add3A_11 = arith.addf %add3A, %add3A_10 : vector<2048x1xf32>
    %rsqrt3A = math.rsqrt %add3A_11 : vector<2048x1xf32>
    %broadcast_in_dim3A = vector.shape_cast %rsqrt3A : vector<2048x1xf32> to vector<2048x1xf32>
    %broadcast_in_dim3A_12 = vector.broadcast %broadcast_in_dim3A : vector<2048x1xf32> to vector<2048x8xf32>
    %swap3A = arith.constant 0 : index
    %swap3A_13 = arith.constant 0 : index
    %swap3A_14 = vector.load %arg3[%swap3A, %swap3A_13] : memref<2048x8xf32, #tpu.memory_space<vmem>>, vector<2048x8xf32>
    tpu.vector_store %arg3[%swap3A, %swap3A_13], %broadcast_in_dim3A_12 {strides = array<i32>} : memref<2048x8xf32, #tpu.memory_space<vmem>>, vector<2048x8xf32>,
    %get3A_15 = arith.constant 0 : index
    %get3A_16 = arith.constant 0 : index
    %get3A_17 = vector.load %arg2[%get3A_15, %get3A_16] : memref<2048x128xf32, #tpu.memory_space<vmem>>, vector<2048x128xf32>
    %mul3A = vector.broadcast %rsqrt3A : vector<2048x1xf32> to vector<2048x128xf32>
    %mul3A_18 = arith.mulf %get3A_17, %mul3A : vector<2048x128xf32>
    %swap3A_19 = arith.constant 0 : index
    %swap3A_20 = arith.constant 0 : index
    %swap3A_21 = vector.load %arg4[%swap3A_19, %swap3A_20] : memref<2048x128xf32, #tpu.memory_space<vmem>>, vector<2048x128xf32>
    tpu.vector_store %arg4[%swap3A_19, %swap3A_20], %mul3A_18 {strides = array<i32>} : memref<2048x128xf32, #tpu.memory_space<vmem>>, vector<2048x128xf32>,
    return
  }
  func.func @transform_0(%arg0: i32) -> (i32, i32, i32) {
    %c0_i32 = arith.constant 0 : i32
    %c0_i32_0 = arith.constant 0 : i32
    %c0_i32_1 = arith.constant 0 : i32
    return %c0_i32, %arg0, %c0_i32_0 : i32, i32, i32
  }
  func.func @transform_1(%arg0: i32) -> (i32, i32) {
    %c0_i32 = arith.constant 0 : i32
    %c0_i32_0 = arith.constant 0 : i32
    return %arg0, %c0_i32 : i32, i32
  }
  func.func @transform_2(%arg0: i32) -> (i32, i32) {
    %c0_i32 = arith.constant 0 : i32
    %c0_i32_0 = arith.constant 0 : i32
    return %arg0, %c0_i32 : i32, i32
  }
  func.func @transform_3(%arg0: i32) -> (i32, i32) {
    %c0_i32 = arith.constant 0 : i32
    %c0_i32_0 = arith.constant 0 : i32
    return %arg0, %c0_i32 : i32, i32
  }
}

module attributes {stable_mosaic.version = 14 : i64} {
  func.func @_post2_body(%arg0: i32, %arg1: memref<2x2000x128xf32, #tpu.memory_space<vmem>>, %arg2: memref<2000x128xf32, #tpu.memory_space<vmem>>, %arg3: memref<2000x8xf32, #tpu.memory_space<vmem>>, %arg4: memref<128x64xf32, #tpu.memory_space<vmem>>, %arg5: memref<128x64xf32, #tpu.memory_space<vmem>>, %arg6: memref<1x128xf32, #tpu.memory_space<vmem>>, %arg7: memref<2000x64xf32, #tpu.memory_space<vmem>>, %arg8: memref<2000x64xf32, #tpu.memory_space<vmem>>, %arg9: memref<2000x128xf32, #tpu.memory_space<vmem>>) attributes {dimension_semantics = [#tpu.dimension_semantics<arbitrary>], iteration_bounds = array<i64: 5>, scalar_prefetch = 0 : i64, scratch_operands = 0 : i64, tpu.core_type = #tpu.core_type<tc>, window_params = [{transform_indices = @transform_0, window_bounds = array<i64: 2, 2000, 128>}, {transform_indices = @transform_1, window_bounds = array<i64: 2000, 128>}, {transform_indices = @transform_2, window_bounds = array<i64: 2000, 8>}, {pipeline_mode = #tpu.pipeline_mode<synchronous>, transform_indices = @transform_3, window_bounds = array<i64: 128, 64>}, {pipeline_mode = #tpu.pipeline_mode<synchronous>, transform_indices = @transform_4, window_bounds = array<i64: 128, 64>}, {pipeline_mode = #tpu.pipeline_mode<synchronous>, transform_indices = @transform_5, window_bounds = array<i64: 1, 128>}, {transform_indices = @transform_6, window_bounds = array<i64: 2000, 64>}, {transform_indices = @transform_7, window_bounds = array<i64: 2000, 64>}, {transform_indices = @transform_8, window_bounds = array<i64: 2000, 128>}]} {
    %get3A = arith.constant 0 : index
    %get3A_0 = arith.constant 0 : index
    %get3A_1 = vector.load %arg3[%get3A, %get3A_0] : memref<2000x8xf32, #tpu.memory_space<vmem>>, vector<2000x1xf32>
    %get3A_2 = arith.constant 0 : index
    %get3A_3 = arith.constant 0 : index
    %get3A_4 = arith.constant 0 : index
    %get3A_5 = vector.load %arg1[%get3A_2, %get3A_3, %get3A_4] : memref<2x2000x128xf32, #tpu.memory_space<vmem>>, vector<1x2000x128xf32>
    %get3A_6 = vector.shape_cast %get3A_5 : vector<1x2000x128xf32> to vector<2000x128xf32>
    %get3A_7 = arith.constant 1 : index
    %get3A_8 = arith.constant 0 : index
    %get3A_9 = arith.constant 0 : index
    %get3A_10 = vector.load %arg1[%get3A_7, %get3A_8, %get3A_9] : memref<2x2000x128xf32, #tpu.memory_space<vmem>>, vector<1x2000x128xf32>
    %get3A_11 = vector.shape_cast %get3A_10 : vector<1x2000x128xf32> to vector<2000x128xf32>
    %add3A = arith.addf %get3A_6, %get3A_11 : vector<2000x128xf32>
    %mul3A = vector.broadcast %get3A_1 : vector<2000x1xf32> to vector<2000x128xf32>
    %mul3A_12 = arith.mulf %add3A, %mul3A : vector<2000x128xf32>
    %get3A_13 = arith.constant 0 : index
    %get3A_14 = arith.constant 0 : index
    %get3A_15 = vector.load %arg2[%get3A_13, %get3A_14] : memref<2000x128xf32, #tpu.memory_space<vmem>>, vector<2000x128xf32>
    %mul3A_16 = arith.mulf %get3A_1, %get3A_1 : vector<2000x1xf32>
    %mul3A_17 = vector.broadcast %mul3A_16 : vector<2000x1xf32> to vector<2000x128xf32>
    %mul3A_18 = arith.mulf %get3A_15, %mul3A_17 : vector<2000x128xf32>
    %add3A_19 = arith.addf %mul3A_12, %mul3A_18 : vector<2000x128xf32>
    %slice3A = vector.extract_strided_slice %add3A_19 {offsets = [0, 0], sizes = [2000, 64], strides = [1, 1]} : vector<2000x128xf32> to vector<2000x64xf32>
    %swap3A = arith.constant 0 : index
    %swap3A_20 = arith.constant 0 : index
    %swap3A_21 = vector.load %arg7[%swap3A, %swap3A_20] : memref<2000x64xf32, #tpu.memory_space<vmem>>, vector<2000x64xf32>
    tpu.vector_store %arg7[%swap3A, %swap3A_20], %slice3A {strides = array<i32>} : memref<2000x64xf32, #tpu.memory_space<vmem>>, vector<2000x64xf32>,
    %slice3A_22 = vector.extract_strided_slice %add3A_19 {offsets = [0, 64], sizes = [2000, 64], strides = [1, 1]} : vector<2000x128xf32> to vector<2000x64xf32>
    %swap3A_23 = arith.constant 0 : index
    %swap3A_24 = arith.constant 0 : index
    %swap3A_25 = vector.load %arg8[%swap3A_23, %swap3A_24] : memref<2000x64xf32, #tpu.memory_space<vmem>>, vector<2000x64xf32>
    tpu.vector_store %arg8[%swap3A_23, %swap3A_24], %slice3A_22 {strides = array<i32>} : memref<2000x64xf32, #tpu.memory_space<vmem>>, vector<2000x64xf32>,
    %get3A_26 = arith.constant 0 : index
    %get3A_27 = arith.constant 0 : index
    %get3A_28 = vector.load %arg4[%get3A_26, %get3A_27] : memref<128x64xf32, #tpu.memory_space<vmem>>, vector<128x64xf32>
    %get3A_29 = arith.constant 0 : index
    %get3A_30 = arith.constant 0 : index
    %get3A_31 = vector.load %arg5[%get3A_29, %get3A_30] : memref<128x64xf32, #tpu.memory_space<vmem>>, vector<128x64xf32>
    %mul3A_32 = arith.mulf %get3A_28, %get3A_31 : vector<128x64xf32>
    %dot_general3A = arith.constant dense<0.000000e+00> : vector<2000x128xf32>
    %dot_general3A_33 = tpu.matmul %slice3A, %mul3A_32, %dot_general3A {dimension_numbers = #tpu.dot_dimension_numbers<[1], [1], [0], [0], [0, 0, 1, 0], [], []>, transpose_lhs_hint = false} : vector<2000x64xf32>, vector<128x64xf32>, vector<2000x128xf32> -> vector<2000x128xf32>
    %get3A_34 = arith.constant 0 : index
    %get3A_35 = arith.constant 0 : index
    %get3A_36 = vector.load %arg6[%get3A_34, %get3A_35] : memref<1x128xf32, #tpu.memory_space<vmem>>, vector<1x128xf32>
    %add3A_37 = vector.broadcast %get3A_36 : vector<1x128xf32> to vector<2000x128xf32>
    %add3A_38 = arith.addf %dot_general3A_33, %add3A_37 : vector<2000x128xf32>
    %reduce_max3A = arith.constant dense<0xFF800000> : vector<2000xf32>
    %reduce_max3A_39 = vector.multi_reduction <maximumf>, %add3A_38, %reduce_max3A [1] : vector<2000x128xf32> to vector<2000xf32>
    %broadcast_in_dim3A = vector.shape_cast %reduce_max3A_39 : vector<2000xf32> to vector<2000x1xf32>
    %sub3A = vector.broadcast %broadcast_in_dim3A : vector<2000x1xf32> to vector<2000x128xf32>
    %sub3A_40 = arith.subf %add3A_38, %sub3A : vector<2000x128xf32>
    %exp3A = math.exp %sub3A_40 : vector<2000x128xf32>
    %reduce_sum3A = arith.constant dense<0.000000e+00> : vector<2000xf32>
    %reduce_sum3A_41 = vector.multi_reduction <add>, %exp3A, %reduce_sum3A [1] : vector<2000x128xf32> to vector<2000xf32>
    %broadcast_in_dim3A_42 = vector.shape_cast %reduce_sum3A_41 : vector<2000xf32> to vector<2000x1xf32>
    %div3A = vector.broadcast %broadcast_in_dim3A_42 : vector<2000x1xf32> to vector<2000x128xf32>
    %div3A_43 = arith.divf %exp3A, %div3A : vector<2000x128xf32>
    %swap3A_44 = arith.constant 0 : index
    %swap3A_45 = arith.constant 0 : index
    %swap3A_46 = vector.load %arg9[%swap3A_44, %swap3A_45] : memref<2000x128xf32, #tpu.memory_space<vmem>>, vector<2000x128xf32>
    tpu.vector_store %arg9[%swap3A_44, %swap3A_45], %div3A_43 {strides = array<i32>} : memref<2000x128xf32, #tpu.memory_space<vmem>>, vector<2000x128xf32>,
    return
  }
  func.func @transform_0(%arg0: i32) -> (i32, i32, i32) {
    %c0_i32 = arith.constant 0 : i32
    %c0_i32_0 = arith.constant 0 : i32
    %c0_i32_1 = arith.constant 0 : i32
    return %c0_i32, %arg0, %c0_i32_0 : i32, i32, i32
  }
  func.func @transform_1(%arg0: i32) -> (i32, i32) {
    %c0_i32 = arith.constant 0 : i32
    %c0_i32_0 = arith.constant 0 : i32
    return %arg0, %c0_i32 : i32, i32
  }
  func.func @transform_2(%arg0: i32) -> (i32, i32) {
    %c0_i32 = arith.constant 0 : i32
    %c0_i32_0 = arith.constant 0 : i32
    return %arg0, %c0_i32 : i32, i32
  }
  func.func @transform_3(%arg0: i32) -> (i32, i32) {
    %c0_i32 = arith.constant 0 : i32
    %c0_i32_0 = arith.constant 0 : i32
    %c0_i32_1 = arith.constant 0 : i32
    return %c0_i32, %c0_i32_0 : i32, i32
  }
  func.func @transform_4(%arg0: i32) -> (i32, i32) {
    %c0_i32 = arith.constant 0 : i32
    %c0_i32_0 = arith.constant 0 : i32
    %c0_i32_1 = arith.constant 0 : i32
    return %c0_i32, %c0_i32_0 : i32, i32
  }
  func.func @transform_5(%arg0: i32) -> (i32, i32) {
    %c0_i32 = arith.constant 0 : i32
    %c0_i32_0 = arith.constant 0 : i32
    %c0_i32_1 = arith.constant 0 : i32
    return %c0_i32, %c0_i32_0 : i32, i32
  }
  func.func @transform_6(%arg0: i32) -> (i32, i32) {
    %c0_i32 = arith.constant 0 : i32
    %c0_i32_0 = arith.constant 0 : i32
    return %arg0, %c0_i32 : i32, i32
  }
  func.func @transform_7(%arg0: i32) -> (i32, i32) {
    %c0_i32 = arith.constant 0 : i32
    %c0_i32_0 = arith.constant 0 : i32
    return %arg0, %c0_i32 : i32, i32
  }
  func.func @transform_8(%arg0: i32) -> (i32, i32) {
    %c0_i32 = arith.constant 0 : i32
    %c0_i32_0 = arith.constant 0 : i32
    return %arg0, %c0_i32 : i32, i32
  }
}

module attributes {stable_mosaic.version = 14 : i64} {
  func.func @_post1_body(%arg0: i32, %arg1: memref<2x1024x128xf32, #tpu.memory_space<vmem>>, %arg2: memref<1024x128xf32, #tpu.memory_space<vmem>>, %arg3: memref<1024x8xf32, #tpu.memory_space<vmem>>, %arg4: memref<128x128xf32, #tpu.memory_space<vmem>>, %arg5: memref<1024x128xf32, #tpu.memory_space<vmem>>, %arg6: memref<1024x128xf32, #tpu.memory_space<vmem>>) attributes {dimension_semantics = [#tpu.dimension_semantics<arbitrary>], iteration_bounds = array<i64: 10>, scalar_prefetch = 0 : i64, scratch_operands = 0 : i64, tpu.core_type = #tpu.core_type<tc>, window_params = [{transform_indices = @transform_0, window_bounds = array<i64: 2, 1024, 128>}, {transform_indices = @transform_1, window_bounds = array<i64: 1024, 128>}, {transform_indices = @transform_2, window_bounds = array<i64: 1024, 8>}, {pipeline_mode = #tpu.pipeline_mode<synchronous>, transform_indices = @transform_3, window_bounds = array<i64: 128, 128>}, {transform_indices = @transform_4, window_bounds = array<i64: 1024, 128>}, {transform_indices = @transform_5, window_bounds = array<i64: 1024, 128>}]} {
    %get3A = arith.constant 0 : index
    %get3A_0 = arith.constant 0 : index
    %get3A_1 = vector.load %arg3[%get3A, %get3A_0] : memref<1024x8xf32, #tpu.memory_space<vmem>>, vector<1024x1xf32>
    %get3A_2 = arith.constant 0 : index
    %get3A_3 = arith.constant 0 : index
    %get3A_4 = arith.constant 0 : index
    %get3A_5 = vector.load %arg1[%get3A_2, %get3A_3, %get3A_4] : memref<2x1024x128xf32, #tpu.memory_space<vmem>>, vector<1x1024x128xf32>
    %get3A_6 = vector.shape_cast %get3A_5 : vector<1x1024x128xf32> to vector<1024x128xf32>
    %get3A_7 = arith.constant 1 : index
    %get3A_8 = arith.constant 0 : index
    %get3A_9 = arith.constant 0 : index
    %get3A_10 = vector.load %arg1[%get3A_7, %get3A_8, %get3A_9] : memref<2x1024x128xf32, #tpu.memory_space<vmem>>, vector<1x1024x128xf32>
    %get3A_11 = vector.shape_cast %get3A_10 : vector<1x1024x128xf32> to vector<1024x128xf32>
    %add3A = arith.addf %get3A_6, %get3A_11 : vector<1024x128xf32>
    %mul3A = vector.broadcast %get3A_1 : vector<1024x1xf32> to vector<1024x128xf32>
    %mul3A_12 = arith.mulf %add3A, %mul3A : vector<1024x128xf32>
    %get3A_13 = arith.constant 0 : index
    %get3A_14 = arith.constant 0 : index
    %get3A_15 = vector.load %arg2[%get3A_13, %get3A_14] : memref<1024x128xf32, #tpu.memory_space<vmem>>, vector<1024x128xf32>
    %mul3A_16 = arith.mulf %get3A_1, %get3A_1 : vector<1024x1xf32>
    %mul3A_17 = vector.broadcast %mul3A_16 : vector<1024x1xf32> to vector<1024x128xf32>
    %mul3A_18 = arith.mulf %get3A_15, %mul3A_17 : vector<1024x128xf32>
    %add3A_19 = arith.addf %mul3A_12, %mul3A_18 : vector<1024x128xf32>
    %max3A = arith.constant 0.000000e+00 : f32
    %max3A_20 = vector.broadcast %max3A : f32 to vector<1024x128xf32>
    %max3A_21 = arith.maximumf %add3A_19, %max3A_20 : vector<1024x128xf32>
    %get3A_22 = arith.constant 0 : index
    %get3A_23 = arith.constant 0 : index
    %get3A_24 = vector.load %arg4[%get3A_22, %get3A_23] : memref<128x128xf32, #tpu.memory_space<vmem>>, vector<128x128xf32>
    %dot_general3A = arith.constant dense<0.000000e+00> : vector<1024x128xf32>
    %dot_general3A_25 = tpu.matmul %max3A_21, %get3A_24, %dot_general3A {dimension_numbers = #tpu.dot_dimension_numbers<[1], [0], [0], [1], [0, 0, 1, 1], [], []>, transpose_lhs_hint = false} : vector<1024x128xf32>, vector<128x128xf32>, vector<1024x128xf32> -> vector<1024x128xf32>
    %swap3A = arith.constant 0 : index
    %swap3A_26 = arith.constant 0 : index
    %swap3A_27 = vector.load %arg5[%swap3A, %swap3A_26] : memref<1024x128xf32, #tpu.memory_space<vmem>>, vector<1024x128xf32>
    tpu.vector_store %arg5[%swap3A, %swap3A_26], %dot_general3A_25 {strides = array<i32>} : memref<1024x128xf32, #tpu.memory_space<vmem>>, vector<1024x128xf32>,
    %mul3A_28 = vector.broadcast %get3A_1 : vector<1024x1xf32> to vector<1024x128xf32>
    %mul3A_29 = arith.mulf %dot_general3A_25, %mul3A_28 : vector<1024x128xf32>
    %swap3A_30 = arith.constant 0 : index
    %swap3A_31 = arith.constant 0 : index
    %swap3A_32 = vector.load %arg6[%swap3A_30, %swap3A_31] : memref<1024x128xf32, #tpu.memory_space<vmem>>, vector<1024x128xf32>
    tpu.vector_store %arg6[%swap3A_30, %swap3A_31], %mul3A_29 {strides = array<i32>} : memref<1024x128xf32, #tpu.memory_space<vmem>>, vector<1024x128xf32>,
    return
  }
  func.func @transform_0(%arg0: i32) -> (i32, i32, i32) {
    %c0_i32 = arith.constant 0 : i32
    %c0_i32_0 = arith.constant 0 : i32
    %c0_i32_1 = arith.constant 0 : i32
    return %c0_i32, %arg0, %c0_i32_0 : i32, i32, i32
  }
  func.func @transform_1(%arg0: i32) -> (i32, i32) {
    %c0_i32 = arith.constant 0 : i32
    %c0_i32_0 = arith.constant 0 : i32
    return %arg0, %c0_i32 : i32, i32
  }
  func.func @transform_2(%arg0: i32) -> (i32, i32) {
    %c0_i32 = arith.constant 0 : i32
    %c0_i32_0 = arith.constant 0 : i32
    return %arg0, %c0_i32 : i32, i32
  }
  func.func @transform_3(%arg0: i32) -> (i32, i32) {
    %c0_i32 = arith.constant 0 : i32
    %c0_i32_0 = arith.constant 0 : i32
    %c0_i32_1 = arith.constant 0 : i32
    return %c0_i32, %c0_i32_0 : i32, i32
  }
  func.func @transform_4(%arg0: i32) -> (i32, i32) {
    %c0_i32 = arith.constant 0 : i32
    %c0_i32_0 = arith.constant 0 : i32
    return %arg0, %c0_i32 : i32, i32
  }
  func.func @transform_5(%arg0: i32) -> (i32, i32) {
    %c0_i32 = arith.constant 0 : i32
    %c0_i32_0 = arith.constant 0 : i32
    return %arg0, %c0_i32 : i32, i32
  }
}

module attributes {stable_mosaic.version = 14 : i64} {
  func.func @_adj_body(%arg0: i32, %arg1: memref<400x64xf32, #tpu.memory_space<vmem>>, %arg2: memref<10000x64xf32, #tpu.memory_space<vmem>>, %arg3: memref<400x10000xf32, #tpu.memory_space<vmem>>) attributes {dimension_semantics = [#tpu.dimension_semantics<arbitrary>], iteration_bounds = array<i64: 25>, scalar_prefetch = 0 : i64, scratch_operands = 0 : i64, tpu.core_type = #tpu.core_type<tc>, window_params = [{transform_indices = @transform_0, window_bounds = array<i64: 400, 64>}, {pipeline_mode = #tpu.pipeline_mode<synchronous>, transform_indices = @transform_1, window_bounds = array<i64: 10000, 64>}, {transform_indices = @transform_2, window_bounds = array<i64: 400, 10000>}]} {
    %get3A = arith.constant 0 : index
    %get3A_0 = arith.constant 0 : index
    %get3A_1 = vector.load %arg1[%get3A, %get3A_0] : memref<400x64xf32, #tpu.memory_space<vmem>>, vector<400x64xf32>
    %get3A_2 = arith.constant 0 : index
    %get3A_3 = arith.constant 0 : index
    %get3A_4 = vector.load %arg2[%get3A_2, %get3A_3] : memref<10000x64xf32, #tpu.memory_space<vmem>>, vector<10000x64xf32>
    %dot_general3A = arith.constant dense<0.000000e+00> : vector<400x10000xf32>
    %dot_general3A_5 = tpu.matmul %get3A_1, %get3A_4, %dot_general3A {dimension_numbers = #tpu.dot_dimension_numbers<[1], [1], [0], [0], [0, 0, 1, 0], [], []>, transpose_lhs_hint = false} : vector<400x64xf32>, vector<10000x64xf32>, vector<400x10000xf32> -> vector<400x10000xf32>
    %swap3A = arith.constant 0 : index
    %swap3A_6 = arith.constant 0 : index
    %swap3A_7 = vector.load %arg3[%swap3A, %swap3A_6] : memref<400x10000xf32, #tpu.memory_space<vmem>>, vector<400x10000xf32>
    tpu.vector_store %arg3[%swap3A, %swap3A_6], %dot_general3A_5 {strides = array<i32>} : memref<400x10000xf32, #tpu.memory_space<vmem>>, vector<400x10000xf32>,
    return
  }
  func.func @transform_0(%arg0: i32) -> (i32, i32) {
    %c0_i32 = arith.constant 0 : i32
    %c0_i32_0 = arith.constant 0 : i32
    return %arg0, %c0_i32 : i32, i32
  }
  func.func @transform_1(%arg0: i32) -> (i32, i32) {
    %c0_i32 = arith.constant 0 : i32
    %c0_i32_0 = arith.constant 0 : i32
    %c0_i32_1 = arith.constant 0 : i32
    return %c0_i32, %c0_i32_0 : i32, i32
  }
  func.func @transform_2(%arg0: i32) -> (i32, i32) {
    %c0_i32 = arith.constant 0 : i32
    %c0_i32_0 = arith.constant 0 : i32
    return %arg0, %c0_i32 : i32, i32
  }
}

</mosaic_0001>

<sc_bundles>
// kernel: kernel.10.cloned.1.call-start
scs
__scs_entry_jumppad:
0x0: {  	(pc) =	sbr.rel $0x88, $3  }
0x1: {  	(tag) =	ssettag $0x0;
	lr =	simm.s32 $0x1  }
0x2: {  	[smem:$0x3F99] =	sst lr;
	_ =	strace $0xD0000000  }
0x3: {  	_ = 	snop  }
0x4: {  	_ = 	snop  }
0x5: {  	_ = 	snop  }
0x6: {  	_ = 	snop  }
0x7: {  	_ = 	snop  }
__scs_overlays_trampoline_lowered:
0x8: {  	[smem:$0x3FA8] =	sst s0  }
0x9: {  	[smem:$0x3FA9] =	sst s1  }
0xa: {  	[smem:$0x3FAA] =	sst s2  }
0xb: {  	[smem:$0x3FAB] =	sst s3  }
0xc: {  	[smem:$0x3FAC] =	sst s4  }
0xd: {  	[smem:$0x3FAD] =	sst s5  }
0xe: {  	[smem:$0x3FAE] =	sst s6  }
0xf: {  	[smem:$0x3FAF] =	sst s7  }
0x10: {  	[smem:$0x3FB0] =	sst s8  }
0x11: {  	[smem:$0x3FB1] =	sst s9;
	s0 =	simm.s32 @!p0 $0x0  }
0x12: {  	s1 =	sld [smem:$0x3F97];
	s0 =	simm.s32 @p0 $0x1  }
0x13: {  	[smem:$0x3FB2] =	sst s0;
	s0 =	simm.s32 @!p1 $0x0  }
0x14: {  	s2 =	sld [smem:$0x3F96];
	s0 =	simm.s32 @p1 $0x1  }
0x15: {  	[smem:$0x3FB3] =	sst s0;
	s0 =	simm.s32 @!p2 $0x0  }
0x16: {  	s3 =	sld [smem:$0x3FDB];
	s0 =	simm.s32 @p2 $0x1  }
0x17: {  	s4 =	simm.s32 $0x1BF5;
	[smem:$0x3FB5] =	sst s0  }
0x18: {  	s0 =	sld [smem:$0x3F98];
	_ =	swait.ge [sflag:s4], $0x0  }
0x19: {  	s7 =	sld [smem:$0x3F99]  }
0x1a: {  	s8 =	sadd.s32 $0xFFFFE003, lr  }
0x1b: {  	s9 =	sadd.s32 $0xFFFFFEF7, lr;
	s5 =	simm.s32 $0xFFFFFFFF;
	p2 =	slt.u32 s8, $0xFFFFF086  }
0x1c: {  	p1 =	slt.u32 s9, $0xF7A;
	s5 =	simm.s32 @!p2 $0x0  }
0x1d: {  	s5 =	simm.s32 @p1 $0x1;
	p0 =	seq.s32 s7, s2  }
0x1e: {  	s7 =	smul.u32 @!p0 $0xF7A, s2;
	p2 =	seq.s32 @!p0 s5, $0x0  }
0x1f: {  	s9 =	smul.u32 $0xF7A, s1;
	s8 =	simm.s32 @!p0 $0x1BF5;
	p2 =	por !p2, p0  }
0x20: {  	[sflag:s8] =	ssyncset.s32 @!p0 $0xFFFFF086;
	s6 =	sadd.s32 @!p0 s3, s7;
	s7 =	simm.s32 @!p0 $0x108  }
0x21: {  	s3 =	sadd.s32 s3, s9;
	s6 =	sadd.s32 @!p0 $0x88, s6;
	s7 =	simm.s32 @p2 $0x1082  }
0x22: {  	[simem:s7], [sflag:s8] =	dma.local @!p0 [hbm:s6], $0xF7A  }
0x23: {  	s9 =	sor.u32 $0xD0000000, s2;
	s6 =	simm.s32 $0x108;
	_ =	swait.ge @!p0 [sflag:s8], $0x0  }
0x24: {  	s3 =	sadd.s32 $0x88, s3;
	s6 =	simm.s32 @!p1 $0x1082;
	[sflag:s4] =	ssyncset.s32 $0xFFFFF086  }
0x25: {  	[simem:s6], [sflag:s4] =	dma.local [hbm:s3], $0xF7A  }
0x26: {  	[smem:$0x3F99] =	sst s1;
	(tag) =	ssettag s2;
	_ =	strace s9  }
0x27: {  	s1 =	sld [smem:$0x3FA9]  }
0x28: {  	s2 =	sld [smem:$0x3FAA]  }
0x29: {  	s4 =	sld [smem:$0x3FAC]  }
0x2a: {  	p0 =	seq.s32 s5, $0x0;
	s5 =	sld [smem:$0x3FAD]  }
0x2b: {  	s6 =	sld [smem:$0x3FAE]  }
0x2c: {  	s7 =	sld [smem:$0x3FAF]  }
0x2d: {  	s3 =	simm.s32 $0x108;
	s8 =	sld [smem:$0x3FB0]  }
0x2e: {  	s3 =	simm.s32 @!p0 $0x1082;
	s9 =	sld [smem:$0x3FB1]  }
0x2f: {  	lr =	sadd.s32 s0, s3;
	s0 =	sld [smem:$0x3FA8]  }
0x30: {  	s3 =	sld [smem:$0x3FAB]  }
0x31: {  	[smem:$0x3FB4] =	sst s10  }
0x32: {  	s10 =	sld [smem:$0x3FB2];
	_ =	sdelay $0x3  }
0x33: {  	p0 =	seq.s32 s10, $0x1;
	s10 =	sld [smem:$0x3FB4];
	_ =	sdelay $0x3  }
0x34: {  	[smem:$0x3FB4] =	sst s10  }
0x35: {  	s10 =	sld [smem:$0x3FB3];
	_ =	sdelay $0x3  }
0x36: {  	p1 =	seq.s32 s10, $0x1;
	s10 =	sld [smem:$0x3FB4];
	_ =	sdelay $0x3  }
0x37: {  	[smem:$0x3FB4] =	sst s10  }
0x38: {  	s10 =	sld [smem:$0x3FB5]  }
0x39: {  	_ = 	snop;
	(pc) =	sbr.ind lr, $3  }
0x3a: {  	_ = 	snop  }
0x3b: {  	_ = 	snop  }
0x3c: {  	p2 =	seq.s32 s10, $0x1;
	s10 =	sld [smem:$0x3FB4]  }
0x3d: {  	_ =	shalt  }
0x3e: {  	_ =	shalt  }
0x3f: {  	_ =	shalt  }
0x40: {  	_ =	shalt  }
0x41: {  	_ =	shalt  }
0x42: {  	_ =	shalt  }
0x43: {  	_ =	shalt  }
0x44: {  	_ =	shalt  }
0x45: {  	_ =	shalt  }
0x46: {  	_ =	shalt  }
0x47: {  	_ =	shalt  }
0x48: {  	_ =	shalt  }
0x49: {  	_ =	shalt  }
0x4a: {  	_ =	shalt  }
0x4b: {  	_ =	shalt  }
0x4c: {  	_ =	shalt  }
0x4d: {  	_ =	shalt  }
0x4e: {  	_ =	shalt  }
0x4f: {  	_ =	shalt  }
0x50: {  	_ =	shalt  }
0x51: {  	_ =	shalt  }
0x52: {  	_ =	shalt  }
0x53: {  	_ =	shalt  }
0x54: {  	_ =	shalt  }
0x55: {  	_ =	shalt  }
0x56: {  	_ =	shalt  }
0x57: {  	_ =	shalt  }
0x58: {  	_ =	shalt  }
0x59: {  	_ =	shalt  }
0x5a: {  	_ =	shalt  }
0x5b: {  	_ =	shalt  }
0x5c: {  	_ =	shalt  }
0x5d: {  	_ =	shalt  }
0x5e: {  	_ =	shalt  }
0x5f: {  	_ =	shalt  }
0x60: {  	_ =	shalt  }
0x61: {  	_ =	shalt  }
0x62: {  	_ =	shalt  }
0x63: {  	_ =	shalt  }
0x64: {  	_ =	shalt  }
0x65: {  	_ =	shalt  }
0x66: {  	_ =	shalt  }
0x67: {  	_ =	shalt  }
0x68: {  	_ =	shalt  }
0x69: {  	_ =	shalt  }
0x6a: {  	_ =	shalt  }
0x6b: {  	_ =	shalt  }
0x6c: {  	_ =	shalt  }
0x6d: {  	_ =	shalt  }
0x6e: {  	_ =	shalt  }
0x6f: {  	_ =	shalt  }
0x70: {  	_ =	shalt  }
0x71: {  	_ =	shalt  }
0x72: {  	_ =	shalt  }
0x73: {  	_ =	shalt  }
0x74: {  	_ =	shalt  }
0x75: {  	_ =	shalt  }
0x76: {  	_ =	shalt  }
0x77: {  	_ =	shalt  }
0x78: {  	_ =	shalt  }
0x79: {  	_ =	shalt  }
0x7a: {  	_ =	shalt  }
0x7b: {  	_ =	shalt  }
0x7c: {  	_ =	shalt  }
0x7d: {  	_ =	shalt  }
0x7e: {  	_ =	shalt  }
0x7f: {  	_ =	shalt  }
0x80: {  	_ =	shalt  }
0x81: {  	_ =	shalt  }
0x82: {  	_ =	shalt  }
0x83: {  	_ =	shalt  }
0x84: {  	_ =	shalt  }
0x85: {  	_ =	shalt  }
0x86: {  	_ =	shalt  }
0x87: {  	_ =	shalt  }
.Lfunc_end0:
.L_simem_size_0:
called_computation_lowered:
.L_overlay_start_0:
0x88: {  	s2 =	sld [smem:$0x3FD9]  }
0x89: {  	s3 =	sld [smem:$0x3FFE];
	_ =	sdelay $0x1  }
0x8a: {  	s1 =	srdreg.scid  }
0x8b: {  	s0 =	sand.u32 $0x1, s1  }
0x8c: {  	s14 =	sshll.u32 s0, $0xA;
	s2 =	sadd.s32 s3, s2  }
0x8d: {  	s2 =	sadd.s32 s2, s14  }
0x8e: {  	[smem:$0x3FC0] =	sst s2  }
0x8f: {  	_ = 	snop  }
0x90: {  	s2 =	sld [smem:$0x3FD0];
	_ =	sdelay $0x2  }
0x91: {  	s15 =	simm.s32 $0xA;
	s4 =	simm.s32 $0x10  }
0x92: {  	[smem:s4], [sflag:s15] =	dma.local [hbm:s2], $0x1  }
0x93: {  	_ =	swait.eq [sflag:s15], $0x1  }
0x94: {  	s16 =	sld [smem:$0x10];
	[sflag:s15] =	ssyncset.done $0x0  }
0x95: {  	s17 =	sld [smem:$0x11];
	[sflag:s15] =	ssyncadd.s32 $0xFFFFFFFF  }
0x96: {  	s18 =	sld [smem:$0x13];
	(tm) =	ssettm $0x1  }
0x97: {  	s5 =	sld [smem:$0x3FFB];
	_ =	sdelay $0x3  }
0x98: {  	_ =	strace s5  }
0x99: {  	s5 =	sld [smem:$0x3FFC];
	_ =	sdelay $0x3  }
0x9a: {  	_ =	strace s5  }
0x9b: {  	s5 =	sld [smem:$0x3FFD];
	_ =	sdelay $0x3  }
0x9c: {  	_ =	strace s5  }
0x9d: {  	_ =	strace $0x8FFFFFFF  }
0x9e: {  	s19 =	sld [smem:$0x3FDB];
	_ =	sdelay $0x1  }
0x9f: {  	s6 =	simm.s32 $_scs_section_size  }
0xa0: {  	s7 =	simm.s32 $_size__tile_overlayer_lowered;
	s8 =	simm.s32 $_tile_overlayer_lowered  }
0xa1: {  	s22 =	simm.s32 $0x1BFF;
	s21 =	sshll.u32 s8, $0x1;
	s5 =	sadd.s32 s6, s19  }
0xa2: {  	s9 =	simm.s32 $0x0;
	s20 =	sshll.u32 s7, $0x1;
	s7 =	sadd.s32 s21, s5  }
0xa3: {  	[timem:s9], [sflag:s22] =	dma.local [hbm:s7], s20  }
0xa4: {  	_ =	swait.ge [sflag:s22], s20  }
0xa5: {  	s6 =	ssub.s32 $0x0, s20;
	[sflag:s22] =	ssyncset.done $0x0  }
0xa6: {  	[sflag:s22] =	ssyncadd.s32 s6;
	_ =	sdelay $0x1  }
0xa7: {  	s23 =	simm.s32 $0x1B8B  }
0xa8: {  	_ =	swait.ge [sflag:s23], $0x1  }
0xa9: {  	[sflag:s23] =	ssyncset.done $0x0  }
0xaa: {  	s25 =	simm.s32 $0x1B8E;
	s24 =	sld [smem:$0x3FFE];
	[sflag:s23] =	ssyncadd.s32 $0xFFFFFFFF  }
0xab: {  	s26 =	simm.s32 $execute0_lowered;
	[smem:$0x3FD2] =	sst s25  }
0xac: {  	s7 =	sshll.u32 s26, $0x1;
	_ =	strace $0x80000046;
	[dreg:$0x1] =	wrdreg $0xFFFFFFFF  }
0xad: {  	s28 =	simm.s32 $_size_execute0_lowered;
	s5 =	sadd.s32 s5, s7;
	[dreg:$0x0] =	wrdreg $0x0  }
0xae: {  	s7 =	sshll.u32 s28, $0x1;
	[dreg:$0x2] =	wrdreg s5  }
0xaf: {  	[dreg:$0x3] =	wrdreg s7  }
0xb0: {  	[dreg:$0x4] =	wrdreg $0xC0  }
0xb1: {  	_ =	task [dreg:s9], $0x5FFFF  }
0xb2: {  	[dreg:$0x1] =	wrdreg $0xFFFFFFFF  }
0xb3: {  	[dreg:$0x0] =	wrdreg $0x60  }
0xb4: {  	[dreg:$0x2] =	wrdreg s18  }
0xb5: {  	[dreg:$0x3] =	wrdreg s24  }
0xb6: {  	[dreg:$0x4] =	wrdreg s17  }
0xb7: {  	[dreg:$0x5] =	wrdreg s16  }
0xb8: {  	[dreg:$0x6] =	wrdreg $0x40800  }
0xb9: {  	[dreg:$0x7] =	wrdreg $0x9  }
0xba: {  	_ =	task.clear_ibuf [dreg:s9], $0x8FFFF;
	_ =	strace $0x90000046  }
0xbb: {  	s29 =	simm.s32 $0x9;
	_ =	strace $0x80000048  }
0xbc: {  	_ =	swait.ge [sflag:s29], $0x1  }
0xbd: {  	[sflag:s29] =	ssyncadd.s32 $0xFFFFFFFF  }
0xbe: {  	_ =	strace $0x90000048  }
0xbf: {  	_ =	sfence  }
0xc0: {  	s30 =	sld [smem:$0x0];
	_ =	sdelay $0x2  }
0xc1: {  	s31 =	sshll.u32 s1, $0xD;
	s1 =	sshrl.u32 s1, $0x2  }
0xc2: {  	s3 =	sand.u32 $0x4000, s31;
	s1 =	sadd.s32 s1, s30  }
0xc3: {  	s0 =	sor.u32 s3, s0;
	s1 =	sshll.u32 s1, $0x11  }
0xc4: {  	s0 =	sor.u32 s1, s0  }
0xc5: {  	s0 =	sadd.s32 $0x8F2B, s0  }
0xc6: {  	[sflag:s0] =	ssyncadd.remote.s32 $0x1  }
0xc7: {  	_ =	sfence.sel $0xFFFF  }
0xc8: {  	[dreg:$0x0] =	wrdreg $0xFFFFFFFF;
	(pc) =	sbr.abs _section_cstart, $3  }
0xc9: {  	[dreg:$0x1] =	wrdreg $0xFFFFFFFF  }
0xca: {  	_ =	task.clear_ibuf [dreg:s9], $0x2FFFF;
	_ =	strace $0x9FFFFFFF  }
0xcb: {  	(tm) =	ssettm $0x7FFFFFFF  }
tec
execute0_lowered:
.L_overlay_start_1:
0x0: {  	(tag) =	ssettag $0x1  }
0x1: {  	s6 =	rddreg [dreg:$0x0]  }
0x2: {  	s5 =	rddreg [dreg:$0x1]  }
0x3: {  	s1 =	rddreg [dreg:$0x2]  }
0x4: {  	s7 =	rddreg [dreg:$0x3]  }
0x5: {  	s3 =	rddreg [dreg:$0x4];
	s2 =	stileid.u32  }
0x6: {  	s0 =	rddreg [dreg:$0x5];
	s9 =	smul.u32 $0x50000, s2  }
0x7: {  	s8 =	srdreg.scid;
	s4 =	simm.s32 $0x0;
	s13 =	smul.u32 $0x14000, s2  }
0x8: {  	s8 =	sand.u32 $0x1, s8;
	[smem:$0x7FF] =	sst s4;
	s26 =	smul.u32 $0xA00, s2  }
0x9: {  	s5 =	sadd.s32 $0x2400, s5;
	s31 =	sshll.u32 s2, $0x6;
	s11 =	smul.u32 $0x140000, s8  }
0xa: {  	s10 =	ssub.s32 $0x2, s8;
	_ =	strace $0x80000047;
	s8 =	smul.u32 $0x500, s8  }
0xb: {  	s12 =	sshrl.u32 s10, $0x1;
	s9 =	sshrl.u32 s9, $0x2;
	s30 =	sadd.s32 s26, s6  }
0xc: {  	s10 =	ssub.s32 s10, s12;
	s11 =	sadd.s32 s13, s11;
	s28 =	sadd.s32 s9, s3  }
0xd: {  	s8 =	sadd.s32 s8, s30;
	s9 =	simm.s32 $0x80;
	s13 =	simm.s32 $0x0  }
0xe: {  	s29 =	sshrl.u32 s11, $0x3;
	s11 =	sor.u32 $0x1C01, s31;
	s12 =	sshrl.u32 s28, $0x3  }
0xf: {  	s6 =	sadd.s32 s7, s29;
	s7 =	smax.u32 s10, $0x1;
	s10 =	simm.s32 $0x1  }
.LBB2_1:
0x10: {  	[tilespmem:s9], [sflag:$0x1] =	stream.linear.gather [hbm4b:s5+s4], $0x4000, $0x38;
	[tilespmem:$0x18080] =	vst v63  }
0x11: {  	_ =	swait.ge [sflag:s10], $0x4000  }
0x12: {  	[sflag:s10] =	ssyncset.done $0x0  }
0x13: {  	[sflag:s10] =	ssyncadd.s32 $0xFFFFC000  }
0x14: {  	[spmem:s12], [sflag:s11] =	dma.local [hbm:s1], $0x2800  }
0x15: {  	_ =	swait.ge [sflag:s10], $0x2800  }
0x16: {  	[sflag:s10] =	ssyncset.done $0x0  }
0x17: {  	[sflag:s10] =	ssyncadd.s32 $0xFFFFD800  }
0x18: {  	s14 =	sadd.s32 $0x0, s8;
	[bflag:$0x0] =	sbarrier.arrive $0xFFFF  }
0x19: {  	[tilespmem:s4], [sflag:$0x1] =	stream.linear.gather [hbm4b:s14+s4], $0x80, $0x38;
	[tilespmem:$0x18080] =	vst v63  }
0x1a: {  	_ =	swait.ge [sflag:s10], $0x80  }
0x1b: {  	[sflag:s10] =	ssyncset.done $0x0  }
0x1c: {  	[sflag:s10] =	ssyncadd.s32 $0xFFFFFF80  }
0x1d: {  	[spmem:s3] =	stream.indirect.scatter.add.f32 [tilespmem:s9], [sflag:$0x1], $0x80, s4, s9, $0xb8;
	[tilespmem:$0x18080] =	vst v63  }
0x1e: {  	_ =	swait.ge [sflag:s10], $0x4000  }
0x1f: {  	s15 =	simm.s32 $0x20;
	s14 =	simm.s32 $0x10;
	[sflag:s10] =	ssyncset.done $0x0  }
.LBB2_2:
0x20: {  	s16 =	sadd.s32 s14, s8  }
0x21: {  	[sflag:s10] =	ssyncadd.s32 $0xFFFFC000;
	s14 =	smov.u32 s15;
	s17 =	sadd.s32 $0x10, s15  }
0x22: {  	[tilespmem:s4], [sflag:$0x1] =	stream.linear.gather [hbm4b:s16+s4], $0x80, $0x38;
	[tilespmem:$0x18080] =	vst v63  }
0x23: {  	p0 =	sne.s32 s15, $0x4F0;
	_ =	swait.ge [sflag:s10], $0x80  }
.Ltmp0:
0x24: {  	[sflag:s10] =	ssyncset.done $0x0;
	(pc) =	sbr.rel @p0 .LBB2_2-.Ltmp0, $4  }
0x25: {  	[sflag:s10] =	ssyncadd.s32 $0xFFFFFF80  }
0x26: {  	[spmem:s3] =	stream.indirect.scatter.add.f32 [tilespmem:s9], [sflag:$0x1], $0x80, s4, s9, $0xb8;
	[tilespmem:$0x18080] =	vst v63  }
0x27: {  	_ =	swait.ge [sflag:s10], $0x4000  }
0x28: {  	s15 =	smov.u32 s17;
	[sflag:s10] =	ssyncset.done $0x0  }
0x29: {  	s14 =	sadd.s32 s14, s8;
	[sflag:s10] =	ssyncadd.s32 $0xFFFFC000  }
0x2a: {  	[tilespmem:s4], [sflag:$0x1] =	stream.linear.gather [hbm4b:s14+s4], $0x80, $0x38;
	[tilespmem:$0x18080] =	vst v63  }
0x2b: {  	_ =	swait.ge [sflag:s10], $0x80  }
0x2c: {  	[sflag:s10] =	ssyncset.done $0x0  }
0x2d: {  	[sflag:s10] =	ssyncadd.s32 $0xFFFFFF80  }
0x2e: {  	[spmem:s3] =	stream.indirect.scatter.add.f32 [tilespmem:s9], [sflag:$0x1], $0x80, s4, s9, $0xb8;
	[tilespmem:$0x18080] =	vst v63  }
0x2f: {  	_ =	swait.ge [sflag:s10], $0x4000  }
0x30: {  	s13 =	sadd.s32 $0x1, s13;
	[sflag:s10] =	ssyncset.done $0x0  }
0x31: {  	p0 =	sne.s32 s13, s7;
	[sflag:s10] =	ssyncadd.s32 $0xFFFFC000  }
.Ltmp1:
0x32: {  	[bflag:$0x0] =	sbarrier.arrive $0xFFFF;
	(pc) =	sbr.rel @p0 .LBB2_1-.Ltmp1, $4  }
0x33: {  	[hbm:s6], [sflag:s11] =	dma.local [spmem:s12], $0x2800  }
0x34: {  	_ =	swait.ge [sflag:s10], $0x2800  }
0x35: {  	[sflag:s10] =	ssyncset.done $0x0  }
0x36: {  	[sflag:s10] =	ssyncadd.s32 $0xFFFFD800  }
0x37: {  	_ =	sfence.sel $0x180000  }
0x38: {  	[bflag:$0x0] =	sbarrier.arrive $0xFFFF  }
0x39: {  	p0 =	sne.s32 s2, $0x0;
	_ =	strace $0x90000047  }
0x3a: {  	s0 =	sadd.s32 @!p0 $0x100000, s0;
	[bflag:$0x2] =	sbarrier.arrive $0xFFFF  }
0x3b: {  	[sflag:s0] =	ssyncadd.tile.s32 @!p0 $0x1;
	_ =	shalt  }
.Lfunc_end2:
_tile_overlayer_lowered:
.L_overlay_start_2:
0x3c: {  	(tag) =	ssettag $0x2  }
0x3d: {  	s0 =	rddreg [dreg:$0x0];
	s2 =	stileid.u32  }
0x3e: {  	s1 =	rddreg [dreg:$0x1];
	p0 =	sne.s32 s2, $0x0  }
0x3f: {  	s3 =	rddreg [dreg:$0x2];
	[bflag:$0x3] =	sbarrier.arrive $0xFFFF;
	s2 =	simm.s32 @!p0 $0x1C01  }
0x40: {  	[timem:s3], [sflag:s2] =	dma.local @!p0 [hbm:s0], s1  }
0x41: {  	s0 =	simm.s32 @!p0 $0x1  }
0x42: {  	_ =	swait.ge @!p0 [sflag:s0], s1  }
0x43: {  	s1 =	ssub.s32 @!p0 $0x0, s1;
	[sflag:s0] =	ssyncset.done @!p0 $0x0  }
0x44: {  	[sflag:s0] =	ssyncadd.s32 @!p0 s1  }
0x45: {  	[bflag:$0x3] =	sbarrier.arrive $0xFFFF  }
0x46: {  	_ =	shalt  }

// kernel: kernel.13.cloned.1.call-start
scs
__scs_entry_jumppad:
0x0: {  	(pc) =	sbr.rel $0x88, $3  }
0x1: {  	(tag) =	ssettag $0x0;
	lr =	simm.s32 $0x1  }
0x2: {  	[smem:$0x3F99] =	sst lr;
	_ =	strace $0xD0000000  }
0x3: {  	_ = 	snop  }
0x4: {  	_ = 	snop  }
0x5: {  	_ = 	snop  }
0x6: {  	_ = 	snop  }
0x7: {  	_ = 	snop  }
__scs_overlays_trampoline_lowered:
0x8: {  	[smem:$0x3FA8] =	sst s0  }
0x9: {  	[smem:$0x3FA9] =	sst s1  }
0xa: {  	[smem:$0x3FAA] =	sst s2  }
0xb: {  	[smem:$0x3FAB] =	sst s3  }
0xc: {  	[smem:$0x3FAC] =	sst s4  }
0xd: {  	[smem:$0x3FAD] =	sst s5  }
0xe: {  	[smem:$0x3FAE] =	sst s6  }
0xf: {  	[smem:$0x3FAF] =	sst s7  }
0x10: {  	[smem:$0x3FB0] =	sst s8  }
0x11: {  	[smem:$0x3FB1] =	sst s9;
	s0 =	simm.s32 @!p0 $0x0  }
0x12: {  	s1 =	sld [smem:$0x3F97];
	s0 =	simm.s32 @p0 $0x1  }
0x13: {  	[smem:$0x3FB2] =	sst s0;
	s0 =	simm.s32 @!p1 $0x0  }
0x14: {  	s2 =	sld [smem:$0x3F96];
	s0 =	simm.s32 @p1 $0x1  }
0x15: {  	[smem:$0x3FB3] =	sst s0;
	s0 =	simm.s32 @!p2 $0x0  }
0x16: {  	s3 =	sld [smem:$0x3FDB];
	s0 =	simm.s32 @p2 $0x1  }
0x17: {  	s4 =	simm.s32 $0x1BF5;
	[smem:$0x3FB5] =	sst s0  }
0x18: {  	s0 =	sld [smem:$0x3F98];
	_ =	swait.ge [sflag:s4], $0x0  }
0x19: {  	s7 =	sld [smem:$0x3F99]  }
0x1a: {  	s8 =	sadd.s32 $0xFFFFE003, lr  }
0x1b: {  	s9 =	sadd.s32 $0xFFFFFEF7, lr;
	s5 =	simm.s32 $0xFFFFFFFF;
	p2 =	slt.u32 s8, $0xFFFFF086  }
0x1c: {  	p1 =	slt.u32 s9, $0xF7A;
	s5 =	simm.s32 @!p2 $0x0  }
0x1d: {  	s5 =	simm.s32 @p1 $0x1;
	p0 =	seq.s32 s7, s2  }
0x1e: {  	s7 =	smul.u32 @!p0 $0xF7A, s2;
	p2 =	seq.s32 @!p0 s5, $0x0  }
0x1f: {  	s9 =	smul.u32 $0xF7A, s1;
	s8 =	simm.s32 @!p0 $0x1BF5;
	p2 =	por !p2, p0  }
0x20: {  	[sflag:s8] =	ssyncset.s32 @!p0 $0xFFFFF086;
	s6 =	sadd.s32 @!p0 s3, s7;
	s7 =	simm.s32 @!p0 $0x108  }
0x21: {  	s3 =	sadd.s32 s3, s9;
	s6 =	sadd.s32 @!p0 $0x88, s6;
	s7 =	simm.s32 @p2 $0x1082  }
0x22: {  	[simem:s7], [sflag:s8] =	dma.local @!p0 [hbm:s6], $0xF7A  }
0x23: {  	s9 =	sor.u32 $0xD0000000, s2;
	s6 =	simm.s32 $0x108;
	_ =	swait.ge @!p0 [sflag:s8], $0x0  }
0x24: {  	s3 =	sadd.s32 $0x88, s3;
	s6 =	simm.s32 @!p1 $0x1082;
	[sflag:s4] =	ssyncset.s32 $0xFFFFF086  }
0x25: {  	[simem:s6], [sflag:s4] =	dma.local [hbm:s3], $0xF7A  }
0x26: {  	[smem:$0x3F99] =	sst s1;
	(tag) =	ssettag s2;
	_ =	strace s9  }
0x27: {  	s1 =	sld [smem:$0x3FA9]  }
0x28: {  	s2 =	sld [smem:$0x3FAA]  }
0x29: {  	s4 =	sld [smem:$0x3FAC]  }
0x2a: {  	p0 =	seq.s32 s5, $0x0;
	s5 =	sld [smem:$0x3FAD]  }
0x2b: {  	s6 =	sld [smem:$0x3FAE]  }
0x2c: {  	s7 =	sld [smem:$0x3FAF]  }
0x2d: {  	s3 =	simm.s32 $0x108;
	s8 =	sld [smem:$0x3FB0]  }
0x2e: {  	s3 =	simm.s32 @!p0 $0x1082;
	s9 =	sld [smem:$0x3FB1]  }
0x2f: {  	lr =	sadd.s32 s0, s3;
	s0 =	sld [smem:$0x3FA8]  }
0x30: {  	s3 =	sld [smem:$0x3FAB]  }
0x31: {  	[smem:$0x3FB4] =	sst s10  }
0x32: {  	s10 =	sld [smem:$0x3FB2];
	_ =	sdelay $0x3  }
0x33: {  	p0 =	seq.s32 s10, $0x1;
	s10 =	sld [smem:$0x3FB4];
	_ =	sdelay $0x3  }
0x34: {  	[smem:$0x3FB4] =	sst s10  }
0x35: {  	s10 =	sld [smem:$0x3FB3];
	_ =	sdelay $0x3  }
0x36: {  	p1 =	seq.s32 s10, $0x1;
	s10 =	sld [smem:$0x3FB4];
	_ =	sdelay $0x3  }
0x37: {  	[smem:$0x3FB4] =	sst s10  }
0x38: {  	s10 =	sld [smem:$0x3FB5]  }
0x39: {  	_ = 	snop;
	(pc) =	sbr.ind lr, $3  }
0x3a: {  	_ = 	snop  }
0x3b: {  	_ = 	snop  }
0x3c: {  	p2 =	seq.s32 s10, $0x1;
	s10 =	sld [smem:$0x3FB4]  }
0x3d: {  	_ =	shalt  }
0x3e: {  	_ =	shalt  }
0x3f: {  	_ =	shalt  }
0x40: {  	_ =	shalt  }
0x41: {  	_ =	shalt  }
0x42: {  	_ =	shalt  }
0x43: {  	_ =	shalt  }
0x44: {  	_ =	shalt  }
0x45: {  	_ =	shalt  }
0x46: {  	_ =	shalt  }
0x47: {  	_ =	shalt  }
0x48: {  	_ =	shalt  }
0x49: {  	_ =	shalt  }
0x4a: {  	_ =	shalt  }
0x4b: {  	_ =	shalt  }
0x4c: {  	_ =	shalt  }
0x4d: {  	_ =	shalt  }
0x4e: {  	_ =	shalt  }
0x4f: {  	_ =	shalt  }
0x50: {  	_ =	shalt  }
0x51: {  	_ =	shalt  }
0x52: {  	_ =	shalt  }
0x53: {  	_ =	shalt  }
0x54: {  	_ =	shalt  }
0x55: {  	_ =	shalt  }
0x56: {  	_ =	shalt  }
0x57: {  	_ =	shalt  }
0x58: {  	_ =	shalt  }
0x59: {  	_ =	shalt  }
0x5a: {  	_ =	shalt  }
0x5b: {  	_ =	shalt  }
0x5c: {  	_ =	shalt  }
0x5d: {  	_ =	shalt  }
0x5e: {  	_ =	shalt  }
0x5f: {  	_ =	shalt  }
0x60: {  	_ =	shalt  }
0x61: {  	_ =	shalt  }
0x62: {  	_ =	shalt  }
0x63: {  	_ =	shalt  }
0x64: {  	_ =	shalt  }
0x65: {  	_ =	shalt  }
0x66: {  	_ =	shalt  }
0x67: {  	_ =	shalt  }
0x68: {  	_ =	shalt  }
0x69: {  	_ =	shalt  }
0x6a: {  	_ =	shalt  }
0x6b: {  	_ =	shalt  }
0x6c: {  	_ =	shalt  }
0x6d: {  	_ =	shalt  }
0x6e: {  	_ =	shalt  }
0x6f: {  	_ =	shalt  }
0x70: {  	_ =	shalt  }
0x71: {  	_ =	shalt  }
0x72: {  	_ =	shalt  }
0x73: {  	_ =	shalt  }
0x74: {  	_ =	shalt  }
0x75: {  	_ =	shalt  }
0x76: {  	_ =	shalt  }
0x77: {  	_ =	shalt  }
0x78: {  	_ =	shalt  }
0x79: {  	_ =	shalt  }
0x7a: {  	_ =	shalt  }
0x7b: {  	_ =	shalt  }
0x7c: {  	_ =	shalt  }
0x7d: {  	_ =	shalt  }
0x7e: {  	_ =	shalt  }
0x7f: {  	_ =	shalt  }
0x80: {  	_ =	shalt  }
0x81: {  	_ =	shalt  }
0x82: {  	_ =	shalt  }
0x83: {  	_ =	shalt  }
0x84: {  	_ =	shalt  }
0x85: {  	_ =	shalt  }
0x86: {  	_ =	shalt  }
0x87: {  	_ =	shalt  }
.Lfunc_end0:
.L_simem_size_0:
called_computation.1_lowered:
.L_overlay_start_0:
0x88: {  	s2 =	sld [smem:$0x3FD9]  }
0x89: {  	s3 =	sld [smem:$0x3FFE];
	_ =	sdelay $0x1  }
0x8a: {  	s1 =	srdreg.scid  }
0x8b: {  	s0 =	sand.u32 $0x1, s1  }
0x8c: {  	s14 =	sshll.u32 s0, $0xA;
	s2 =	sadd.s32 s3, s2  }
0x8d: {  	s2 =	sadd.s32 s2, s14  }
0x8e: {  	[smem:$0x3FC0] =	sst s2  }
0x8f: {  	_ = 	snop  }
0x90: {  	s2 =	sld [smem:$0x3FD0];
	_ =	sdelay $0x2  }
0x91: {  	s15 =	simm.s32 $0xA;
	s4 =	simm.s32 $0x10  }
0x92: {  	[smem:s4], [sflag:s15] =	dma.local [hbm:s2], $0x1  }
0x93: {  	_ =	swait.eq [sflag:s15], $0x1  }
0x94: {  	s16 =	sld [smem:$0x10]  }
0x95: {  	s17 =	sld [smem:$0x11];
	[sflag:s15] =	ssyncset.done $0x0  }
0x96: {  	s5 =	sld [smem:$0x12];
	[sflag:s15] =	ssyncadd.s32 $0xFFFFFFFF  }
0x97: {  	s18 =	sld [smem:$0x13];
	(tm) =	ssettm $0x1  }
0x98: {  	s6 =	sld [smem:$0x3FFB];
	_ =	sdelay $0x3  }
0x99: {  	_ =	strace s6  }
0x9a: {  	s6 =	sld [smem:$0x3FFC];
	_ =	sdelay $0x3  }
0x9b: {  	_ =	strace s6  }
0x9c: {  	s6 =	sld [smem:$0x3FFD];
	_ =	sdelay $0x3  }
0x9d: {  	_ =	strace s6  }
0x9e: {  	_ =	strace $0x8FFFFFFF  }
0x9f: {  	s19 =	sld [smem:$0x3FDB];
	_ =	sdelay $0x1  }
0xa0: {  	s7 =	simm.s32 $_scs_section_size  }
0xa1: {  	s8 =	simm.s32 $_size__tile_overlayer_lowered;
	s9 =	simm.s32 $_tile_overlayer_lowered  }
0xa2: {  	s22 =	simm.s32 $0x1BFF;
	s21 =	sshll.u32 s9, $0x1;
	s6 =	sadd.s32 s7, s19  }
0xa3: {  	s10 =	simm.s32 $0x0;
	s20 =	sshll.u32 s8, $0x1;
	s8 =	sadd.s32 s21, s6  }
0xa4: {  	[timem:s10], [sflag:s22] =	dma.local [hbm:s8], s20  }
0xa5: {  	_ =	swait.ge [sflag:s22], s20  }
0xa6: {  	s7 =	ssub.s32 $0x0, s20;
	[sflag:s22] =	ssyncset.done $0x0  }
0xa7: {  	[sflag:s22] =	ssyncadd.s32 s7;
	_ =	sdelay $0x1  }
0xa8: {  	s23 =	simm.s32 $0x1B8B  }
0xa9: {  	_ =	swait.ge [sflag:s23], $0x1  }
0xaa: {  	[sflag:s23] =	ssyncset.done $0x0  }
0xab: {  	s25 =	simm.s32 $0x1B8E;
	s24 =	sld [smem:$0x3FFE];
	[sflag:s23] =	ssyncadd.s32 $0xFFFFFFFF  }
0xac: {  	s26 =	simm.s32 $execute0_lowered;
	[smem:$0x3FD2] =	sst s25  }
0xad: {  	s8 =	sshll.u32 s26, $0x1;
	_ =	strace $0x80000049;
	[dreg:$0x1] =	wrdreg $0xFFFFFFFF  }
0xae: {  	s28 =	simm.s32 $_size_execute0_lowered;
	s6 =	sadd.s32 s6, s8;
	[dreg:$0x0] =	wrdreg $0x0  }
0xaf: {  	s8 =	sshll.u32 s28, $0x1;
	[dreg:$0x2] =	wrdreg s6  }
0xb0: {  	[dreg:$0x3] =	wrdreg s8  }
0xb1: {  	[dreg:$0x4] =	wrdreg $0xC0  }
0xb2: {  	_ =	task [dreg:s10], $0x5FFFF  }
0xb3: {  	[dreg:$0x1] =	wrdreg $0xFFFFFFFF  }
0xb4: {  	[dreg:$0x0] =	wrdreg $0x60  }
0xb5: {  	[dreg:$0x2] =	wrdreg s24  }
0xb6: {  	[dreg:$0x3] =	wrdreg s5  }
0xb7: {  	[dreg:$0x4] =	wrdreg s18  }
0xb8: {  	[dreg:$0x5] =	wrdreg s17  }
0xb9: {  	[dreg:$0x6] =	wrdreg s16  }
0xba: {  	[dreg:$0x7] =	wrdreg $0x41000  }
0xbb: {  	[dreg:$0x8] =	wrdreg $0x9  }
0xbc: {  	_ =	task.clear_ibuf [dreg:s10], $0x9FFFF;
	_ =	strace $0x90000049  }
0xbd: {  	s29 =	simm.s32 $0x9;
	_ =	strace $0x8000004B  }
0xbe: {  	_ =	swait.ge [sflag:s29], $0x1  }
0xbf: {  	[sflag:s29] =	ssyncadd.s32 $0xFFFFFFFF  }
0xc0: {  	_ =	strace $0x9000004B  }
0xc1: {  	_ =	sfence  }
0xc2: {  	s30 =	sld [smem:$0x0];
	_ =	sdelay $0x2  }
0xc3: {  	s31 =	sshll.u32 s1, $0xD;
	s1 =	sshrl.u32 s1, $0x2  }
0xc4: {  	s3 =	sand.u32 $0x4000, s31;
	s1 =	sadd.s32 s1, s30  }
0xc5: {  	s0 =	sor.u32 s3, s0;
	s1 =	sshll.u32 s1, $0x11  }
0xc6: {  	s0 =	sor.u32 s1, s0  }
0xc7: {  	s0 =	sadd.s32 $0x8F2B, s0  }
0xc8: {  	[sflag:s0] =	ssyncadd.remote.s32 $0x1  }
0xc9: {  	_ =	sfence.sel $0xFFFF  }
0xca: {  	[dreg:$0x0] =	wrdreg $0xFFFFFFFF;
	(pc) =	sbr.abs _section_cstart, $3  }
0xcb: {  	[dreg:$0x1] =	wrdreg $0xFFFFFFFF  }
0xcc: {  	_ =	task.clear_ibuf [dreg:s10], $0x2FFFF;
	_ =	strace $0x9FFFFFFF  }
0xcd: {  	(tm) =	ssettm $0x7FFFFFFF  }
tec
execute0_lowered:
.L_overlay_start_1:
0x0: {  	(tag) =	ssettag $0x1  }
0x1: {  	s5 =	rddreg [dreg:$0x0]  }
0x2: {  	s8 =	rddreg [dreg:$0x1]  }
0x3: {  	s9 =	rddreg [dreg:$0x2]  }
0x4: {  	s1 =	rddreg [dreg:$0x3]  }
0x5: {  	s7 =	rddreg [dreg:$0x4]  }
0x6: {  	s3 =	rddreg [dreg:$0x5]  }
0x7: {  	s0 =	rddreg [dreg:$0x6]  }
0x8: {  	s4 =	simm.s32 $0x0;
	s6 =	srdreg.scid;
	s2 =	stileid.u32  }
0x9: {  	s15 =	simm.s32 $0x1;
	s16 =	simm.s32 $0x0;
	s26 =	smul.u32 $0x50000, s2  }
0xa: {  	[smem:$0x7FF] =	sst s4;
	s10 =	sand.u32 $0x1, s6;
	s14 =	smul.u32 $0x14000, s2  }
0xb: {  	s5 =	sadd.s32 $0x2400, s5;
	s29 =	sshll.u32 s2, $0x6;
	s30 =	smul.u32 $0xA00, s2  }
0xc: {  	_ =	strace $0x8000004A;
	s11 =	ssub.s32 $0x2, s10;
	s12 =	smul.u32 $0x140000, s10  }
0xd: {  	s10 =	smul.u32 $0x500, s10;
	s13 =	sshrl.u32 s11, $0x1;
	s6 =	sshrl.u32 s26, $0x2  }
0xe: {  	s9 =	sadd.s32 s30, s9;
	s31 =	sadd.s32 s30, s8;
	s11 =	ssub.s32 s11, s13  }
0xf: {  	s28 =	sadd.s32 s6, s3;
	s12 =	sadd.s32 s14, s12;
	s6 =	sor.u32 $0x1C02, s29  }
0x10: {  	s9 =	sadd.s32 s10, s9;
	s10 =	sadd.s32 s10, s31;
	s13 =	simm.s32 $0x80  }
0x11: {  	s14 =	simm.s32 $0x100;
	s12 =	sshrl.u32 s12, $0x3;
	s8 =	smax.u32 s11, $0x1  }
0x12: {  	s11 =	sshrl.u32 s28, $0x3;
	s7 =	sadd.s32 s7, s12;
	s12 =	simm.s32 $0x2  }
.LBB2_1:
0x13: {  	[spmem:s11], [sflag:s6] =	dma.local [hbm:s1], $0x2800  }
0x14: {  	_ =	swait.ge [sflag:s12], $0x2800  }
0x15: {  	[sflag:s12] =	ssyncset.done $0x0  }
0x16: {  	[sflag:s12] =	ssyncadd.s32 $0xFFFFD800  }
0x17: {  	s17 =	sadd.s32 $0x0, s10;
	[bflag:$0x0] =	sbarrier.arrive $0xFFFF  }
0x18: {  	[tilespmem:s4], [sflag:$0x2] =	stream.linear.gather [hbm4b:s17+s4], $0x80, $0x38;
	[tilespmem:$0x18100] =	vst v63  }
0x19: {  	_ =	swait.ge [sflag:s12], $0x80  }
0x1a: {  	[sflag:s12] =	ssyncset.done $0x0  }
0x1b: {  	s31 =	sadd.s32 $0x0, s9;
	[sflag:s12] =	ssyncadd.s32 $0xFFFFFF80  }
0x1c: {  	[tilespmem:s13], [sflag:$0x2] =	stream.linear.gather [hbm4b:s31+s4], $0x80, $0x38;
	[tilespmem:$0x18100] =	vst v63  }
0x1d: {  	_ =	swait.ge [sflag:s12], $0x80  }
0x1e: {  	[sflag:s12] =	ssyncset.done $0x0  }
0x1f: {  	[sflag:s12] =	ssyncadd.s32 $0xFFFFFF80  }
0x20: {  	[tilespmem:s14], [sflag:$0x1] =	stream.indirect.gather [hbm4b:s5+s13], $0x80, s4, s13, $0xb8;
	[tilespmem:$0x18100] =	vst v63  }
0x21: {  	_ =	swait.ge [sflag:s15], $0x4000  }
0x22: {  	[sflag:s15] =	ssyncset.done $0x0  }
0x23: {  	[sflag:s15] =	ssyncadd.s32 $0xFFFFC000  }
0x24: {  	[spmem:s3] =	stream.indirect.scatter.add.f32 [tilespmem:s14], [sflag:$0x2], $0x80, s13, s13, $0xb8;
	[tilespmem:$0x18100] =	vst v63  }
0x25: {  	_ =	swait.ge [sflag:s12], $0x4000  }
0x26: {  	s18 =	simm.s32 $0x20;
	s17 =	simm.s32 $0x10;
	[sflag:s12] =	ssyncset.done $0x0  }
.LBB2_2:
0x27: {  	s19 =	sadd.s32 s17, s10  }
0x28: {  	[sflag:s12] =	ssyncadd.s32 $0xFFFFC000;
	s20 =	smov.u32 s18;
	s21 =	sadd.s32 $0x10, s18  }
0x29: {  	[tilespmem:s4], [sflag:$0x2] =	stream.linear.gather [hbm4b:s19+s4], $0x80, $0x38;
	[tilespmem:$0x18100] =	vst v63  }
0x2a: {  	p0 =	sne.s32 s18, $0x4F0;
	_ =	swait.ge [sflag:s12], $0x80  }
0x2b: {  	[sflag:s12] =	ssyncset.done $0x0  }
0x2c: {  	s18 =	sadd.s32 s17, s9;
	s17 =	smov.u32 s20;
	[sflag:s12] =	ssyncadd.s32 $0xFFFFFF80  }
0x2d: {  	[tilespmem:s13], [sflag:$0x2] =	stream.linear.gather [hbm4b:s18+s4], $0x80, $0x38;
	[tilespmem:$0x18100] =	vst v63  }
0x2e: {  	_ =	swait.ge [sflag:s12], $0x80  }
0x2f: {  	[sflag:s12] =	ssyncset.done $0x0  }
0x30: {  	[sflag:s12] =	ssyncadd.s32 $0xFFFFFF80  }
0x31: {  	[tilespmem:s14], [sflag:$0x1] =	stream.indirect.gather [hbm4b:s5+s13], $0x80, s4, s13, $0xb8;
	[tilespmem:$0x18100] =	vst v63  }
0x32: {  	_ =	swait.ge [sflag:s15], $0x4000  }
.Ltmp0:
0x33: {  	[sflag:s15] =	ssyncset.done $0x0;
	(pc) =	sbr.rel @p0 .LBB2_2-.Ltmp0, $4  }
0x34: {  	[sflag:s15] =	ssyncadd.s32 $0xFFFFC000  }
0x35: {  	[spmem:s3] =	stream.indirect.scatter.add.f32 [tilespmem:s14], [sflag:$0x2], $0x80, s13, s13, $0xb8;
	[tilespmem:$0x18100] =	vst v63  }
0x36: {  	_ =	swait.ge [sflag:s12], $0x4000  }
0x37: {  	s18 =	smov.u32 s21;
	[sflag:s12] =	ssyncset.done $0x0  }
0x38: {  	s18 =	sadd.s32 s17, s10;
	[sflag:s12] =	ssyncadd.s32 $0xFFFFC000  }
0x39: {  	[tilespmem:s4], [sflag:$0x2] =	stream.linear.gather [hbm4b:s18+s4], $0x80, $0x38;
	[tilespmem:$0x18100] =	vst v63  }
0x3a: {  	_ =	swait.ge [sflag:s12], $0x80  }
0x3b: {  	[sflag:s12] =	ssyncset.done $0x0  }
0x3c: {  	s31 =	sadd.s32 s17, s9;
	[sflag:s12] =	ssyncadd.s32 $0xFFFFFF80  }
0x3d: {  	[tilespmem:s13], [sflag:$0x2] =	stream.linear.gather [hbm4b:s31+s4], $0x80, $0x38;
	[tilespmem:$0x18100] =	vst v63  }
0x3e: {  	_ =	swait.ge [sflag:s12], $0x80  }
0x3f: {  	[sflag:s12] =	ssyncset.done $0x0  }
0x40: {  	[sflag:s12] =	ssyncadd.s32 $0xFFFFFF80  }
0x41: {  	[tilespmem:s14], [sflag:$0x1] =	stream.indirect.gather [hbm4b:s5+s13], $0x80, s4, s13, $0xb8;
	[tilespmem:$0x18100] =	vst v63  }
0x42: {  	_ =	swait.ge [sflag:s15], $0x4000  }
0x43: {  	[sflag:s15] =	ssyncset.done $0x0  }
0x44: {  	[sflag:s15] =	ssyncadd.s32 $0xFFFFC000  }
0x45: {  	[spmem:s3] =	stream.indirect.scatter.add.f32 [tilespmem:s14], [sflag:$0x2], $0x80, s13, s13, $0xb8;
	[tilespmem:$0x18100] =	vst v63  }
0x46: {  	_ =	swait.ge [sflag:s12], $0x4000  }
0x47: {  	s16 =	sadd.s32 $0x1, s16;
	[sflag:s12] =	ssyncset.done $0x0  }
0x48: {  	p0 =	sne.s32 s16, s8;
	[sflag:s12] =	ssyncadd.s32 $0xFFFFC000  }
.Ltmp1:
0x49: {  	[bflag:$0x0] =	sbarrier.arrive $0xFFFF;
	(pc) =	sbr.rel @p0 .LBB2_1-.Ltmp1, $4  }
0x4a: {  	[hbm:s7], [sflag:s6] =	dma.local [spmem:s11], $0x2800  }
0x4b: {  	_ =	swait.ge [sflag:s12], $0x2800  }
0x4c: {  	[sflag:s12] =	ssyncset.done $0x0  }
0x4d: {  	[sflag:s12] =	ssyncadd.s32 $0xFFFFD800  }
0x4e: {  	_ =	sfence.sel $0x180000  }
0x4f: {  	[bflag:$0x0] =	sbarrier.arrive $0xFFFF  }
0x50: {  	p0 =	sne.s32 s2, $0x0;
	_ =	strace $0x9000004A  }
0x51: {  	s0 =	sadd.s32 @!p0 $0x100000, s0;
	[bflag:$0x2] =	sbarrier.arrive $0xFFFF  }
0x52: {  	[sflag:s0] =	ssyncadd.tile.s32 @!p0 $0x1;
	_ =	shalt  }
.Lfunc_end2:
_tile_overlayer_lowered:
.L_overlay_start_2:
0x53: {  	(tag) =	ssettag $0x2  }
0x54: {  	s0 =	rddreg [dreg:$0x0];
	s2 =	stileid.u32  }
0x55: {  	s1 =	rddreg [dreg:$0x1];
	p0 =	sne.s32 s2, $0x0  }
0x56: {  	s3 =	rddreg [dreg:$0x2];
	[bflag:$0x3] =	sbarrier.arrive $0xFFFF;
	s2 =	simm.s32 @!p0 $0x1C02  }
0x57: {  	[timem:s3], [sflag:s2] =	dma.local @!p0 [hbm:s0], s1  }
0x58: {  	s0 =	simm.s32 @!p0 $0x2  }
0x59: {  	_ =	swait.ge @!p0 [sflag:s0], s1  }
0x5a: {  	s1 =	ssub.s32 @!p0 $0x0, s1;
	[sflag:s0] =	ssyncset.done @!p0 $0x0  }
0x5b: {  	[sflag:s0] =	ssyncadd.s32 @!p0 s1  }
0x5c: {  	[bflag:$0x3] =	sbarrier.arrive $0xFFFF  }
0x5d: {  	_ =	shalt  }

// kernel: kernel.16.cloned.1.call-start
scs
__scs_entry_jumppad:
0x0: {  	(pc) =	sbr.rel $0x88, $3  }
0x1: {  	(tag) =	ssettag $0x0;
	lr =	simm.s32 $0x1  }
0x2: {  	[smem:$0x3F99] =	sst lr;
	_ =	strace $0xD0000000  }
0x3: {  	_ = 	snop  }
0x4: {  	_ = 	snop  }
0x5: {  	_ = 	snop  }
0x6: {  	_ = 	snop  }
0x7: {  	_ = 	snop  }
__scs_overlays_trampoline_lowered:
0x8: {  	[smem:$0x3FA8] =	sst s0  }
0x9: {  	[smem:$0x3FA9] =	sst s1  }
0xa: {  	[smem:$0x3FAA] =	sst s2  }
0xb: {  	[smem:$0x3FAB] =	sst s3  }
0xc: {  	[smem:$0x3FAC] =	sst s4  }
0xd: {  	[smem:$0x3FAD] =	sst s5  }
0xe: {  	[smem:$0x3FAE] =	sst s6  }
0xf: {  	[smem:$0x3FAF] =	sst s7  }
0x10: {  	[smem:$0x3FB0] =	sst s8  }
0x11: {  	[smem:$0x3FB1] =	sst s9;
	s0 =	simm.s32 @!p0 $0x0  }
0x12: {  	s1 =	sld [smem:$0x3F97];
	s0 =	simm.s32 @p0 $0x1  }
0x13: {  	[smem:$0x3FB2] =	sst s0;
	s0 =	simm.s32 @!p1 $0x0  }
0x14: {  	s2 =	sld [smem:$0x3F96];
	s0 =	simm.s32 @p1 $0x1  }
0x15: {  	[smem:$0x3FB3] =	sst s0;
	s0 =	simm.s32 @!p2 $0x0  }
0x16: {  	s3 =	sld [smem:$0x3FDB];
	s0 =	simm.s32 @p2 $0x1  }
0x17: {  	s4 =	simm.s32 $0x1BF5;
	[smem:$0x3FB5] =	sst s0  }
0x18: {  	s0 =	sld [smem:$0x3F98];
	_ =	swait.ge [sflag:s4], $0x0  }
0x19: {  	s7 =	sld [smem:$0x3F99]  }
0x1a: {  	s8 =	sadd.s32 $0xFFFFE003, lr  }
0x1b: {  	s9 =	sadd.s32 $0xFFFFFEF7, lr;
	s5 =	simm.s32 $0xFFFFFFFF;
	p2 =	slt.u32 s8, $0xFFFFF086  }
0x1c: {  	p1 =	slt.u32 s9, $0xF7A;
	s5 =	simm.s32 @!p2 $0x0  }
0x1d: {  	s5 =	simm.s32 @p1 $0x1;
	p0 =	seq.s32 s7, s2  }
0x1e: {  	s7 =	smul.u32 @!p0 $0xF7A, s2;
	p2 =	seq.s32 @!p0 s5, $0x0  }
0x1f: {  	s9 =	smul.u32 $0xF7A, s1;
	s8 =	simm.s32 @!p0 $0x1BF5;
	p2 =	por !p2, p0  }
0x20: {  	[sflag:s8] =	ssyncset.s32 @!p0 $0xFFFFF086;
	s6 =	sadd.s32 @!p0 s3, s7;
	s7 =	simm.s32 @!p0 $0x108  }
0x21: {  	s3 =	sadd.s32 s3, s9;
	s6 =	sadd.s32 @!p0 $0x88, s6;
	s7 =	simm.s32 @p2 $0x1082  }
0x22: {  	[simem:s7], [sflag:s8] =	dma.local @!p0 [hbm:s6], $0xF7A  }
0x23: {  	s9 =	sor.u32 $0xD0000000, s2;
	s6 =	simm.s32 $0x108;
	_ =	swait.ge @!p0 [sflag:s8], $0x0  }
0x24: {  	s3 =	sadd.s32 $0x88, s3;
	s6 =	simm.s32 @!p1 $0x1082;
	[sflag:s4] =	ssyncset.s32 $0xFFFFF086  }
0x25: {  	[simem:s6], [sflag:s4] =	dma.local [hbm:s3], $0xF7A  }
0x26: {  	[smem:$0x3F99] =	sst s1;
	(tag) =	ssettag s2;
	_ =	strace s9  }
0x27: {  	s1 =	sld [smem:$0x3FA9]  }
0x28: {  	s2 =	sld [smem:$0x3FAA]  }
0x29: {  	s4 =	sld [smem:$0x3FAC]  }
0x2a: {  	p0 =	seq.s32 s5, $0x0;
	s5 =	sld [smem:$0x3FAD]  }
0x2b: {  	s6 =	sld [smem:$0x3FAE]  }
0x2c: {  	s7 =	sld [smem:$0x3FAF]  }
0x2d: {  	s3 =	simm.s32 $0x108;
	s8 =	sld [smem:$0x3FB0]  }
0x2e: {  	s3 =	simm.s32 @!p0 $0x1082;
	s9 =	sld [smem:$0x3FB1]  }
0x2f: {  	lr =	sadd.s32 s0, s3;
	s0 =	sld [smem:$0x3FA8]  }
0x30: {  	s3 =	sld [smem:$0x3FAB]  }
0x31: {  	[smem:$0x3FB4] =	sst s10  }
0x32: {  	s10 =	sld [smem:$0x3FB2];
	_ =	sdelay $0x3  }
0x33: {  	p0 =	seq.s32 s10, $0x1;
	s10 =	sld [smem:$0x3FB4];
	_ =	sdelay $0x3  }
0x34: {  	[smem:$0x3FB4] =	sst s10  }
0x35: {  	s10 =	sld [smem:$0x3FB3];
	_ =	sdelay $0x3  }
0x36: {  	p1 =	seq.s32 s10, $0x1;
	s10 =	sld [smem:$0x3FB4];
	_ =	sdelay $0x3  }
0x37: {  	[smem:$0x3FB4] =	sst s10  }
0x38: {  	s10 =	sld [smem:$0x3FB5]  }
0x39: {  	_ = 	snop;
	(pc) =	sbr.ind lr, $3  }
0x3a: {  	_ = 	snop  }
0x3b: {  	_ = 	snop  }
0x3c: {  	p2 =	seq.s32 s10, $0x1;
	s10 =	sld [smem:$0x3FB4]  }
0x3d: {  	_ =	shalt  }
0x3e: {  	_ =	shalt  }
0x3f: {  	_ =	shalt  }
0x40: {  	_ =	shalt  }
0x41: {  	_ =	shalt  }
0x42: {  	_ =	shalt  }
0x43: {  	_ =	shalt  }
0x44: {  	_ =	shalt  }
0x45: {  	_ =	shalt  }
0x46: {  	_ =	shalt  }
0x47: {  	_ =	shalt  }
0x48: {  	_ =	shalt  }
0x49: {  	_ =	shalt  }
0x4a: {  	_ =	shalt  }
0x4b: {  	_ =	shalt  }
0x4c: {  	_ =	shalt  }
0x4d: {  	_ =	shalt  }
0x4e: {  	_ =	shalt  }
0x4f: {  	_ =	shalt  }
0x50: {  	_ =	shalt  }
0x51: {  	_ =	shalt  }
0x52: {  	_ =	shalt  }
0x53: {  	_ =	shalt  }
0x54: {  	_ =	shalt  }
0x55: {  	_ =	shalt  }
0x56: {  	_ =	shalt  }
0x57: {  	_ =	shalt  }
0x58: {  	_ =	shalt  }
0x59: {  	_ =	shalt  }
0x5a: {  	_ =	shalt  }
0x5b: {  	_ =	shalt  }
0x5c: {  	_ =	shalt  }
0x5d: {  	_ =	shalt  }
0x5e: {  	_ =	shalt  }
0x5f: {  	_ =	shalt  }
0x60: {  	_ =	shalt  }
0x61: {  	_ =	shalt  }
0x62: {  	_ =	shalt  }
0x63: {  	_ =	shalt  }
0x64: {  	_ =	shalt  }
0x65: {  	_ =	shalt  }
0x66: {  	_ =	shalt  }
0x67: {  	_ =	shalt  }
0x68: {  	_ =	shalt  }
0x69: {  	_ =	shalt  }
0x6a: {  	_ =	shalt  }
0x6b: {  	_ =	shalt  }
0x6c: {  	_ =	shalt  }
0x6d: {  	_ =	shalt  }
0x6e: {  	_ =	shalt  }
0x6f: {  	_ =	shalt  }
0x70: {  	_ =	shalt  }
0x71: {  	_ =	shalt  }
0x72: {  	_ =	shalt  }
0x73: {  	_ =	shalt  }
0x74: {  	_ =	shalt  }
0x75: {  	_ =	shalt  }
0x76: {  	_ =	shalt  }
0x77: {  	_ =	shalt  }
0x78: {  	_ =	shalt  }
0x79: {  	_ =	shalt  }
0x7a: {  	_ =	shalt  }
0x7b: {  	_ =	shalt  }
0x7c: {  	_ =	shalt  }
0x7d: {  	_ =	shalt  }
0x7e: {  	_ =	shalt  }
0x7f: {  	_ =	shalt  }
0x80: {  	_ =	shalt  }
0x81: {  	_ =	shalt  }
0x82: {  	_ =	shalt  }
0x83: {  	_ =	shalt  }
0x84: {  	_ =	shalt  }
0x85: {  	_ =	shalt  }
0x86: {  	_ =	shalt  }
0x87: {  	_ =	shalt  }
.Lfunc_end0:
.L_simem_size_0:
called_computation.2_lowered:
.L_overlay_start_0:
0x88: {  	s2 =	sld [smem:$0x3FD9]  }
0x89: {  	s3 =	sld [smem:$0x3FFE];
	_ =	sdelay $0x1  }
0x8a: {  	s1 =	srdreg.scid  }
0x8b: {  	s0 =	sand.u32 $0x1, s1  }
0x8c: {  	s14 =	sshll.u32 s0, $0xA;
	s2 =	sadd.s32 s3, s2  }
0x8d: {  	s2 =	sadd.s32 s2, s14  }
0x8e: {  	[smem:$0x3FC0] =	sst s2  }
0x8f: {  	_ = 	snop  }
0x90: {  	s2 =	sld [smem:$0x3FD0];
	_ =	sdelay $0x2  }
0x91: {  	s15 =	simm.s32 $0xA;
	s4 =	simm.s32 $0x10  }
0x92: {  	[smem:s4], [sflag:s15] =	dma.local [hbm:s2], $0x1  }
0x93: {  	_ =	swait.eq [sflag:s15], $0x1  }
0x94: {  	s16 =	sld [smem:$0x10]  }
0x95: {  	s17 =	sld [smem:$0x11];
	[sflag:s15] =	ssyncset.done $0x0  }
0x96: {  	s5 =	sld [smem:$0x12];
	[sflag:s15] =	ssyncadd.s32 $0xFFFFFFFF  }
0x97: {  	s18 =	sld [smem:$0x13];
	(tm) =	ssettm $0x1  }
0x98: {  	s6 =	sld [smem:$0x3FFB];
	_ =	sdelay $0x3  }
0x99: {  	_ =	strace s6  }
0x9a: {  	s6 =	sld [smem:$0x3FFC];
	_ =	sdelay $0x3  }
0x9b: {  	_ =	strace s6  }
0x9c: {  	s6 =	sld [smem:$0x3FFD];
	_ =	sdelay $0x3  }
0x9d: {  	_ =	strace s6  }
0x9e: {  	_ =	strace $0x8FFFFFFF  }
0x9f: {  	s19 =	sld [smem:$0x3FDB];
	_ =	sdelay $0x1  }
0xa0: {  	s7 =	simm.s32 $_scs_section_size  }
0xa1: {  	s8 =	simm.s32 $_size__tile_overlayer_lowered;
	s9 =	simm.s32 $_tile_overlayer_lowered  }
0xa2: {  	s22 =	simm.s32 $0x1BFF;
	s21 =	sshll.u32 s9, $0x1;
	s6 =	sadd.s32 s7, s19  }
0xa3: {  	s10 =	simm.s32 $0x0;
	s20 =	sshll.u32 s8, $0x1;
	s8 =	sadd.s32 s21, s6  }
0xa4: {  	[timem:s10], [sflag:s22] =	dma.local [hbm:s8], s20  }
0xa5: {  	_ =	swait.ge [sflag:s22], s20  }
0xa6: {  	s7 =	ssub.s32 $0x0, s20;
	[sflag:s22] =	ssyncset.done $0x0  }
0xa7: {  	[sflag:s22] =	ssyncadd.s32 s7;
	_ =	sdelay $0x1  }
0xa8: {  	s23 =	simm.s32 $0x1B8B  }
0xa9: {  	_ =	swait.ge [sflag:s23], $0x1  }
0xaa: {  	[sflag:s23] =	ssyncset.done $0x0  }
0xab: {  	s25 =	simm.s32 $0x1B8E;
	s24 =	sld [smem:$0x3FFE];
	[sflag:s23] =	ssyncadd.s32 $0xFFFFFFFF  }
0xac: {  	s26 =	simm.s32 $execute0_lowered;
	[smem:$0x3FD2] =	sst s25  }
0xad: {  	s8 =	sshll.u32 s26, $0x1;
	_ =	strace $0x8000004C;
	[dreg:$0x1] =	wrdreg $0xFFFFFFFF  }
0xae: {  	s28 =	simm.s32 $_size_execute0_lowered;
	s6 =	sadd.s32 s6, s8;
	[dreg:$0x0] =	wrdreg $0x0  }
0xaf: {  	s8 =	sshll.u32 s28, $0x1;
	[dreg:$0x2] =	wrdreg s6  }
0xb0: {  	[dreg:$0x3] =	wrdreg s8  }
0xb1: {  	[dreg:$0x4] =	wrdreg $0xC0  }
0xb2: {  	_ =	task [dreg:s10], $0x5FFFF  }
0xb3: {  	[dreg:$0x1] =	wrdreg $0xFFFFFFFF  }
0xb4: {  	[dreg:$0x0] =	wrdreg $0x60  }
0xb5: {  	[dreg:$0x2] =	wrdreg s24  }
0xb6: {  	[dreg:$0x3] =	wrdreg s5  }
0xb7: {  	[dreg:$0x4] =	wrdreg s18  }
0xb8: {  	[dreg:$0x5] =	wrdreg s17  }
0xb9: {  	[dreg:$0x6] =	wrdreg s16  }
0xba: {  	[dreg:$0x7] =	wrdreg $0x41000  }
0xbb: {  	[dreg:$0x8] =	wrdreg $0x9  }
0xbc: {  	_ =	task.clear_ibuf [dreg:s10], $0x9FFFF;
	_ =	strace $0x9000004C  }
0xbd: {  	s29 =	simm.s32 $0x9;
	_ =	strace $0x8000004E  }
0xbe: {  	_ =	swait.ge [sflag:s29], $0x1  }
0xbf: {  	[sflag:s29] =	ssyncadd.s32 $0xFFFFFFFF  }
0xc0: {  	_ =	strace $0x9000004E  }
0xc1: {  	_ =	sfence  }
0xc2: {  	s30 =	sld [smem:$0x0];
	_ =	sdelay $0x2  }
0xc3: {  	s31 =	sshll.u32 s1, $0xD;
	s1 =	sshrl.u32 s1, $0x2  }
0xc4: {  	s3 =	sand.u32 $0x4000, s31;
	s1 =	sadd.s32 s1, s30  }
0xc5: {  	s0 =	sor.u32 s3, s0;
	s1 =	sshll.u32 s1, $0x11  }
0xc6: {  	s0 =	sor.u32 s1, s0  }
0xc7: {  	s0 =	sadd.s32 $0x8F2B, s0  }
0xc8: {  	[sflag:s0] =	ssyncadd.remote.s32 $0x1  }
0xc9: {  	_ =	sfence.sel $0xFFFF  }
0xca: {  	[dreg:$0x0] =	wrdreg $0xFFFFFFFF;
	(pc) =	sbr.abs _section_cstart, $3  }
0xcb: {  	[dreg:$0x1] =	wrdreg $0xFFFFFFFF  }
0xcc: {  	_ =	task.clear_ibuf [dreg:s10], $0x2FFFF;
	_ =	strace $0x9FFFFFFF  }
0xcd: {  	(tm) =	ssettm $0x7FFFFFFF  }
tec
execute0_lowered:
.L_overlay_start_1:
0x0: {  	(tag) =	ssettag $0x1  }
0x1: {  	s5 =	rddreg [dreg:$0x0]  }
0x2: {  	s8 =	rddreg [dreg:$0x1]  }
0x3: {  	s9 =	rddreg [dreg:$0x2]  }
0x4: {  	s1 =	rddreg [dreg:$0x3]  }
0x5: {  	s7 =	rddreg [dreg:$0x4]  }
0x6: {  	s3 =	rddreg [dreg:$0x5]  }
0x7: {  	s0 =	rddreg [dreg:$0x6]  }
0x8: {  	s4 =	simm.s32 $0x0;
	s6 =	srdreg.scid;
	s2 =	stileid.u32  }
0x9: {  	s15 =	simm.s32 $0x1;
	s16 =	simm.s32 $0x0;
	s26 =	smul.u32 $0x50000, s2  }
0xa: {  	[smem:$0x7FF] =	sst s4;
	s10 =	sand.u32 $0x1, s6;
	s14 =	smul.u32 $0x14000, s2  }
0xb: {  	s5 =	sadd.s32 $0x2400, s5;
	s29 =	sshll.u32 s2, $0x6;
	s30 =	smul.u32 $0xA00, s2  }
0xc: {  	_ =	strace $0x8000004D;
	s11 =	ssub.s32 $0x2, s10;
	s12 =	smul.u32 $0x140000, s10  }
0xd: {  	s10 =	smul.u32 $0x500, s10;
	s13 =	sshrl.u32 s11, $0x1;
	s6 =	sshrl.u32 s26, $0x2  }
0xe: {  	s9 =	sadd.s32 s30, s9;
	s31 =	sadd.s32 s30, s8;
	s11 =	ssub.s32 s11, s13  }
0xf: {  	s28 =	sadd.s32 s6, s3;
	s12 =	sadd.s32 s14, s12;
	s6 =	sor.u32 $0x1C02, s29  }
0x10: {  	s9 =	sadd.s32 s10, s9;
	s10 =	sadd.s32 s10, s31;
	s13 =	simm.s32 $0x80  }
0x11: {  	s14 =	simm.s32 $0x100;
	s12 =	sshrl.u32 s12, $0x3;
	s8 =	smax.u32 s11, $0x1  }
0x12: {  	s11 =	sshrl.u32 s28, $0x3;
	s7 =	sadd.s32 s7, s12;
	s12 =	simm.s32 $0x2  }
.LBB2_1:
0x13: {  	[spmem:s11], [sflag:s6] =	dma.local [hbm:s1], $0x2800  }
0x14: {  	_ =	swait.ge [sflag:s12], $0x2800  }
0x15: {  	[sflag:s12] =	ssyncset.done $0x0  }
0x16: {  	[sflag:s12] =	ssyncadd.s32 $0xFFFFD800  }
0x17: {  	s17 =	sadd.s32 $0x0, s10;
	[bflag:$0x0] =	sbarrier.arrive $0xFFFF  }
0x18: {  	[tilespmem:s4], [sflag:$0x2] =	stream.linear.gather [hbm4b:s17+s4], $0x80, $0x38;
	[tilespmem:$0x18100] =	vst v63  }
0x19: {  	_ =	swait.ge [sflag:s12], $0x80  }
0x1a: {  	[sflag:s12] =	ssyncset.done $0x0  }
0x1b: {  	s31 =	sadd.s32 $0x0, s9;
	[sflag:s12] =	ssyncadd.s32 $0xFFFFFF80  }
0x1c: {  	[tilespmem:s13], [sflag:$0x2] =	stream.linear.gather [hbm4b:s31+s4], $0x80, $0x38;
	[tilespmem:$0x18100] =	vst v63  }
0x1d: {  	_ =	swait.ge [sflag:s12], $0x80  }
0x1e: {  	[sflag:s12] =	ssyncset.done $0x0  }
0x1f: {  	[sflag:s12] =	ssyncadd.s32 $0xFFFFFF80  }
0x20: {  	[tilespmem:s14], [sflag:$0x1] =	stream.indirect.gather [hbm4b:s5+s13], $0x80, s4, s13, $0xb8;
	[tilespmem:$0x18100] =	vst v63  }
0x21: {  	_ =	swait.ge [sflag:s15], $0x4000  }
0x22: {  	[sflag:s15] =	ssyncset.done $0x0  }
0x23: {  	[sflag:s15] =	ssyncadd.s32 $0xFFFFC000  }
0x24: {  	[spmem:s3] =	stream.indirect.scatter.add.f32 [tilespmem:s14], [sflag:$0x2], $0x80, s13, s13, $0xb8;
	[tilespmem:$0x18100] =	vst v63  }
0x25: {  	_ =	swait.ge [sflag:s12], $0x4000  }
0x26: {  	s18 =	simm.s32 $0x20;
	s17 =	simm.s32 $0x10;
	[sflag:s12] =	ssyncset.done $0x0  }
.LBB2_2:
0x27: {  	s19 =	sadd.s32 s17, s10  }
0x28: {  	[sflag:s12] =	ssyncadd.s32 $0xFFFFC000;
	s20 =	smov.u32 s18;
	s21 =	sadd.s32 $0x10, s18  }
0x29: {  	[tilespmem:s4], [sflag:$0x2] =	stream.linear.gather [hbm4b:s19+s4], $0x80, $0x38;
	[tilespmem:$0x18100] =	vst v63  }
0x2a: {  	p0 =	sne.s32 s18, $0x4F0;
	_ =	swait.ge [sflag:s12], $0x80  }
0x2b: {  	[sflag:s12] =	ssyncset.done $0x0  }
0x2c: {  	s18 =	sadd.s32 s17, s9;
	s17 =	smov.u32 s20;
	[sflag:s12] =	ssyncadd.s32 $0xFFFFFF80  }
0x2d: {  	[tilespmem:s13], [sflag:$0x2] =	stream.linear.gather [hbm4b:s18+s4], $0x80, $0x38;
	[tilespmem:$0x18100] =	vst v63  }
0x2e: {  	_ =	swait.ge [sflag:s12], $0x80  }
0x2f: {  	[sflag:s12] =	ssyncset.done $0x0  }
0x30: {  	[sflag:s12] =	ssyncadd.s32 $0xFFFFFF80  }
0x31: {  	[tilespmem:s14], [sflag:$0x1] =	stream.indirect.gather [hbm4b:s5+s13], $0x80, s4, s13, $0xb8;
	[tilespmem:$0x18100] =	vst v63  }
0x32: {  	_ =	swait.ge [sflag:s15], $0x4000  }
.Ltmp0:
0x33: {  	[sflag:s15] =	ssyncset.done $0x0;
	(pc) =	sbr.rel @p0 .LBB2_2-.Ltmp0, $4  }
0x34: {  	[sflag:s15] =	ssyncadd.s32 $0xFFFFC000  }
0x35: {  	[spmem:s3] =	stream.indirect.scatter.add.f32 [tilespmem:s14], [sflag:$0x2], $0x80, s13, s13, $0xb8;
	[tilespmem:$0x18100] =	vst v63  }
0x36: {  	_ =	swait.ge [sflag:s12], $0x4000  }
0x37: {  	s18 =	smov.u32 s21;
	[sflag:s12] =	ssyncset.done $0x0  }
0x38: {  	s18 =	sadd.s32 s17, s10;
	[sflag:s12] =	ssyncadd.s32 $0xFFFFC000  }
0x39: {  	[tilespmem:s4], [sflag:$0x2] =	stream.linear.gather [hbm4b:s18+s4], $0x80, $0x38;
	[tilespmem:$0x18100] =	vst v63  }
0x3a: {  	_ =	swait.ge [sflag:s12], $0x80  }
0x3b: {  	[sflag:s12] =	ssyncset.done $0x0  }
0x3c: {  	s31 =	sadd.s32 s17, s9;
	[sflag:s12] =	ssyncadd.s32 $0xFFFFFF80  }
0x3d: {  	[tilespmem:s13], [sflag:$0x2] =	stream.linear.gather [hbm4b:s31+s4], $0x80, $0x38;
	[tilespmem:$0x18100] =	vst v63  }
0x3e: {  	_ =	swait.ge [sflag:s12], $0x80  }
0x3f: {  	[sflag:s12] =	ssyncset.done $0x0  }
0x40: {  	[sflag:s12] =	ssyncadd.s32 $0xFFFFFF80  }
0x41: {  	[tilespmem:s14], [sflag:$0x1] =	stream.indirect.gather [hbm4b:s5+s13], $0x80, s4, s13, $0xb8;
	[tilespmem:$0x18100] =	vst v63  }
0x42: {  	_ =	swait.ge [sflag:s15], $0x4000  }
0x43: {  	[sflag:s15] =	ssyncset.done $0x0  }
0x44: {  	[sflag:s15] =	ssyncadd.s32 $0xFFFFC000  }
0x45: {  	[spmem:s3] =	stream.indirect.scatter.add.f32 [tilespmem:s14], [sflag:$0x2], $0x80, s13, s13, $0xb8;
	[tilespmem:$0x18100] =	vst v63  }
0x46: {  	_ =	swait.ge [sflag:s12], $0x4000  }
0x47: {  	s16 =	sadd.s32 $0x1, s16;
	[sflag:s12] =	ssyncset.done $0x0  }
0x48: {  	p0 =	sne.s32 s16, s8;
	[sflag:s12] =	ssyncadd.s32 $0xFFFFC000  }
.Ltmp1:
0x49: {  	[bflag:$0x0] =	sbarrier.arrive $0xFFFF;
	(pc) =	sbr.rel @p0 .LBB2_1-.Ltmp1, $4  }
0x4a: {  	[hbm:s7], [sflag:s6] =	dma.local [spmem:s11], $0x2800  }
0x4b: {  	_ =	swait.ge [sflag:s12], $0x2800  }
0x4c: {  	[sflag:s12] =	ssyncset.done $0x0  }
0x4d: {  	[sflag:s12] =	ssyncadd.s32 $0xFFFFD800  }
0x4e: {  	_ =	sfence.sel $0x180000  }
0x4f: {  	[bflag:$0x0] =	sbarrier.arrive $0xFFFF  }
0x50: {  	p0 =	sne.s32 s2, $0x0;
	_ =	strace $0x9000004D  }
0x51: {  	s0 =	sadd.s32 @!p0 $0x100000, s0;
	[bflag:$0x2] =	sbarrier.arrive $0xFFFF  }
0x52: {  	[sflag:s0] =	ssyncadd.tile.s32 @!p0 $0x1;
	_ =	shalt  }
.Lfunc_end2:
_tile_overlayer_lowered:
.L_overlay_start_2:
0x53: {  	(tag) =	ssettag $0x2  }
0x54: {  	s0 =	rddreg [dreg:$0x0];
	s2 =	stileid.u32  }
0x55: {  	s1 =	rddreg [dreg:$0x1];
	p0 =	sne.s32 s2, $0x0  }
0x56: {  	s3 =	rddreg [dreg:$0x2];
	[bflag:$0x3] =	sbarrier.arrive $0xFFFF;
	s2 =	simm.s32 @!p0 $0x1C02  }
0x57: {  	[timem:s3], [sflag:s2] =	dma.local @!p0 [hbm:s0], s1  }
0x58: {  	s0 =	simm.s32 @!p0 $0x2  }
0x59: {  	_ =	swait.ge @!p0 [sflag:s0], s1  }
0x5a: {  	s1 =	ssub.s32 @!p0 $0x0, s1;
	[sflag:s0] =	ssyncset.done @!p0 $0x0  }
0x5b: {  	[sflag:s0] =	ssyncadd.s32 @!p0 s1  }
0x5c: {  	[bflag:$0x3] =	sbarrier.arrive $0xFFFF  }
0x5d: {  	_ =	shalt  }

</sc_bundles>
